<compile_context>
chip_gen: v7x
topology: tpu7x:2x2x1
jax: 0.10.2.dev20260603
libtpu: 0.0.44.dev20260713+nightly
codegen_flags: <defaults>
</compile_context>

<pallas_src>
import functools

import jax
import jax.numpy as jnp
from jax import lax
from jax.experimental import pallas as pl
from jax.experimental.pallas import tpu as pltpu
from jax.experimental.pallas import tpu_sc as plsc

_N = 10000
_D = 256
_E = 160000
_HALF = _D // 2
_NTILES = 16
_EDGES_PER_TILE = _E // _NTILES
_CHUNK = 80
_NCHUNK = _EDGES_PER_TILE // _CHUNK
_NSLOT = 3
_WB_TILES = 10
_WB_ROWS = _N // _WB_TILES


def _make_sc_agg():
    mesh = plsc.VectorSubcoreMesh(core_axis_name="c", subcore_axis_name="s")

    scratch = (
        [pltpu.VMEM((_EDGES_PER_TILE,), jnp.int32),
         pltpu.VMEM((_EDGES_PER_TILE,), jnp.int32)]
        + [pltpu.VMEM((_CHUNK, _HALF), jnp.float32) for _ in range(_NSLOT)]
        + [pltpu.VMEM_SHARED((_N, _HALF), jnp.float32)]
        + [pltpu.SemaphoreType.DMA for _ in range(2 * _NSLOT)]
    )

    @functools.partial(
        pl.kernel,
        mesh=mesh,
        out_type=jax.ShapeDtypeStruct((2, _N, _HALF), jnp.float32),
        scratch_types=scratch,
    )
    def sc_agg(h2_hbm, idx2_hbm, dst_hbm, zeros_hbm, out_hbm,
               idx_big, dst_big, *rest):
        rows = rest[:_NSLOT]
        acc_sh = rest[_NSLOT]
        gsem = rest[_NSLOT + 1:2 * _NSLOT + 1]
        ssem = rest[2 * _NSLOT + 1:]
        c = lax.axis_index("c")
        s = lax.axis_index("s")

        pltpu.sync_copy(
            idx2_hbm.at[pl.ds(c * _E + s * _EDGES_PER_TILE, _EDGES_PER_TILE)],
            idx_big)
        pltpu.sync_copy(dst_hbm.at[pl.ds(s * _EDGES_PER_TILE, _EDGES_PER_TILE)],
                        dst_big)

        def islice(ref, k):
            return ref.at[pl.ds(k * _CHUNK, _CHUNK)]

        pltpu.async_copy(h2_hbm.at[islice(idx_big, 0)], rows[0], gsem[0])

        row0 = s * _WB_ROWS

        @pl.when(s < _WB_TILES)
        def _zero():
            pltpu.sync_copy(zeros_hbm, acc_sh.at[pl.ds(row0, _WB_ROWS)])

        plsc.subcore_barrier()

        def gather(k, rows, sem):
            pltpu.async_copy(h2_hbm.at[islice(idx_big, k)], rows, sem)

        def drain_gather(k, rows, sem):
            pltpu.make_async_copy(h2_hbm.at[islice(idx_big, k)], rows, sem).wait()

        def scatter(k, rows, sem):
            pltpu.async_copy(rows, acc_sh.at[islice(dst_big, k)], sem, add=True)

        def drain_scatter(k, rows, sem):
            pltpu.make_async_copy(rows, acc_sh.at[islice(dst_big, k)], sem).wait()

        def step(k, r, first=None, last=None):
            prev = (r + _NSLOT - 1) % _NSLOT
            if first is None or k >= _NSLOT:
                drain_scatter(k - _NSLOT, rows[r], ssem[r])
            if first is None or (k >= 1 and (last is None or k < last)):
                gather(k, rows[r], gsem[r])
            if first is None or k >= 1:
                drain_gather(k - 1, rows[prev], gsem[prev])
                scatter(k - 1, rows[prev], ssem[prev])

        for k in range(1, _NSLOT):
            step(k, k % _NSLOT, first=0, last=_NCHUNK)

        steady_end = ((_NCHUNK - 1) // _NSLOT) * _NSLOT

        def ring_body(j, carry):
            for r in range(_NSLOT):
                step(_NSLOT * j + r, r)
            return carry

        lax.fori_loop(1, steady_end // _NSLOT, ring_body, 0)

        for k in range(steady_end, _NCHUNK + _NSLOT):
            r = k % _NSLOT
            prev = (r + _NSLOT - 1) % _NSLOT
            if k - _NSLOT >= 0 and k - _NSLOT <= _NCHUNK - 1:
                drain_scatter(k - _NSLOT, rows[r], ssem[r])
            if k < _NCHUNK:
                gather(k, rows[r], gsem[r])
            if k - 1 <= _NCHUNK - 1:
                drain_gather(k - 1, rows[prev], gsem[prev])
                scatter(k - 1, rows[prev], ssem[prev])

        plsc.subcore_barrier()

        @pl.when(s < _WB_TILES)
        def _writeback():
            pltpu.sync_copy(acc_sh.at[pl.ds(row0, _WB_ROWS)],
                            out_hbm.at[c, pl.ds(row0, _WB_ROWS)])

    return sc_agg


_sc_agg = _make_sc_agg()


def _dense_body(h_ref, a0_ref, a1_ref, w1_ref, b1_ref, w2_ref, b2_ref,
                sc_ref, gamma_ref, beta_ref, out_ref):
    h = h_ref[...]
    agg = jnp.concatenate([a0_ref[0], a1_ref[0]], axis=1)
    z = h * sc_ref[...] + agg
    t = jnp.maximum(jnp.dot(z, w1_ref[...], preferred_element_type=jnp.float32)
                    + b1_ref[...], 0.0)
    r = jnp.dot(t, w2_ref[...], preferred_element_type=jnp.float32) \
        + b2_ref[...] + h
    mu = jnp.mean(r, axis=1, keepdims=True)
    d = r - mu
    var = jnp.mean(d * d, axis=1, keepdims=True)
    ln = d * lax.rsqrt(var + 1e-5) * gamma_ref[...] + beta_ref[...]
    out_ref[...] = jnp.maximum(ln, 0.0)


_BLK = 2000


def _dense(h, agg2, W1, b1, W2, b2, scale, gamma, beta):
    nblk = _N // _BLK
    full = lambda i: (0, 0)
    return pl.pallas_call(
        _dense_body,
        grid=(nblk,),
        in_specs=[
            pl.BlockSpec((_BLK, _D), lambda i: (i, 0)),
            pl.BlockSpec((1, _BLK, _HALF), lambda i: (0, i, 0)),
            pl.BlockSpec((1, _BLK, _HALF), lambda i: (1, i, 0)),
            pl.BlockSpec((_D, _D), full),
            pl.BlockSpec((1, _D), full),
            pl.BlockSpec((_D, _D), full),
            pl.BlockSpec((1, _D), full),
            pl.BlockSpec((1, 1), full),
            pl.BlockSpec((1, _D), full),
            pl.BlockSpec((1, _D), full),
        ],
        out_specs=pl.BlockSpec((_BLK, _D), lambda i: (i, 0)),
        out_shape=jax.ShapeDtypeStruct((_N, _D), jnp.float32),
    )(h, agg2, agg2, W1, b1, W2, b2, scale, gamma, beta)


def kernel(h, edge_index, W1, b1, W2, b2, eps, gamma, beta):
    src = edge_index[0]
    dst = edge_index[1]
    idx2 = jnp.concatenate([src * 2, src * 2 + 1])
    h2 = h.reshape(2 * _N, _HALF)
    zeros = jnp.zeros((_WB_ROWS, _HALF), jnp.float32)
    agg2 = _sc_agg(h2, idx2, dst, zeros)
    scale = jnp.reshape(1.0 + eps, (1, 1))
    return _dense(h, agg2,
                  W1, b1.reshape(1, _D), W2, b2.reshape(1, _D),
                  scale, gamma.reshape(1, _D), beta.reshape(1, _D))

# --- scband reference (transcript-rebuilt; emitter-appended) ---
"""Pipeline reference for scband-ginlayer-49048526520607 (READ-ONLY COPY).

The authoritative reference and input builder live on the scoring server;
editing this copy changes nothing except your own understanding.
"""

import jax, jax.numpy as jnp
import numpy as np

N, D, E = 10000, 256, 160000


def setup_inputs(seed: int = 0) -> dict:
    key = jax.random.key(seed)
    ks = jax.random.split(key, 9)
    h = jax.random.normal(ks[0], (N, D), dtype=jnp.float32)
    edge_index = jax.random.randint(ks[1], (2, E), 0, N, dtype=jnp.int32)
    W1 = jax.random.normal(ks[2], (D, D), dtype=jnp.float32) * (1.0 / np.sqrt(D))
    b1 = jnp.zeros((D,), dtype=jnp.float32)
    W2 = jax.random.normal(ks[3], (D, D), dtype=jnp.float32) * (1.0 / np.sqrt(D))
    b2 = jnp.zeros((D,), dtype=jnp.float32)
    eps = jnp.zeros((), dtype=jnp.float32)  # train_eps=True, initialized to 0
    gamma = jnp.ones((D,), dtype=jnp.float32)
    beta = jnp.zeros((D,), dtype=jnp.float32)
    return {"h": h, "edge_index": edge_index, "W1": W1, "b1": b1, "W2": W2, "b2": b2, "eps": eps, "gamma": gamma, "beta": beta}


def reference(h, edge_index, W1, b1, W2, b2, eps, gamma, beta):
    # GINConv: out = MLP((1 + eps) * x + sum_{j in N(i)} x_j)
    src = edge_index[0]
    dst = edge_index[1]
    msgs = jnp.take(h, src, axis=0)
    agg = jax.ops.segment_sum(msgs, dst, num_segments=h.shape[0])
    z = (1.0 + eps) * h + agg
    # MLP: Linear -> ReLU -> Linear
    z = jnp.maximum(z @ W1 + b1, 0.0) @ W2 + b2
    # residual
    res = z + h
    # LayerNorm
    mu = jnp.mean(res, axis=-1, keepdims=True)
    var = jnp.var(res, axis=-1, keepdims=True)
    ln = (res - mu) / jnp.sqrt(var + 1e-5) * gamma + beta
    # ReLU (dropout is identity in eval mode)
    return jnp.maximum(ln, 0.0)

if __name__ == "__main__":
    import jax
    _d = setup_inputs()
    print(jax.jit(kernel)(*tuple(_d.values())))

</pallas_src>

<mosaic_0001>
#map = affine_map<(d0, d1) -> (0, 0)>
#map1 = affine_map<(d0, d1) -> (0)>
#map2 = affine_map<(d0, d1) -> (0, 0, 0)>
module attributes {stable_mosaic.version = 14 : i64} {
  func.func @sc_agg(%arg0: i32, %arg1: i32, %arg2: memref<20000x128xf32, #tpu.memory_space<hbm>>, %arg3: memref<320000xi32, #tpu.memory_space<hbm>>, %arg4: memref<160000xi32, #tpu.memory_space<hbm>>, %arg5: memref<1000x128xf32, #tpu.memory_space<hbm>>, %arg6: memref<2x10000x128xf32, #tpu.memory_space<hbm>>, %arg7: memref<10000xi32, #tpu.memory_space<vmem>>, %arg8: memref<10000xi32, #tpu.memory_space<vmem>>, %arg9: memref<80x128xf32, #tpu.memory_space<vmem>>, %arg10: memref<80x128xf32, #tpu.memory_space<vmem>>, %arg11: memref<80x128xf32, #tpu.memory_space<vmem>>, %arg12: memref<10000x128xf32, #tpu.memory_space<vmem_shared>>, %arg13: memref<!tpu.dma_semaphore, #tpu.memory_space<semaphore_mem>>, %arg14: memref<!tpu.dma_semaphore, #tpu.memory_space<semaphore_mem>>, %arg15: memref<!tpu.dma_semaphore, #tpu.memory_space<semaphore_mem>>, %arg16: memref<!tpu.dma_semaphore, #tpu.memory_space<semaphore_mem>>, %arg17: memref<!tpu.dma_semaphore, #tpu.memory_space<semaphore_mem>>, %arg18: memref<!tpu.dma_semaphore, #tpu.memory_space<semaphore_mem>>) attributes {dimension_semantics = [#tpu.dimension_semantics<core_parallel>, #tpu.dimension_semantics<subcore_parallel>], iteration_bounds = array<i64: 2, 16>, scalar_prefetch = 0 : i64, scratch_operands = 12 : i64, tpu.core_type = #tpu.core_type<sc_vector_subcore>, window_params = [{transform_indices = #map}, {transform_indices = #map1}, {transform_indices = #map1}, {transform_indices = #map}, {transform_indices = #map2}]} {
    %mul3A = arith.constant 160000 : i32
    %mul3A_0 = arith.muli %arg0, %mul3A : i32
    %mul3A_1 = arith.constant 10000 : i32
    %mul3A_2 = arith.muli %arg1, %mul3A_1 : i32
    %add3A = arith.addi %mul3A_0, %mul3A_2 : i32
    "tpu.region"() ({
      %run_scoped3A = tpu.sem_alloc : memref<!tpu.dma_semaphore, #tpu.memory_space<semaphore_mem>>
      %dma_start3A_118 = tpu.memref_slice %arg3[%add3A] : memref<320000xi32, #tpu.memory_space<hbm>> -> memref<10000xi32, #tpu.memory_space<hbm>>
      %dma_start3A_119 = tpu.memref_slice %arg3[%add3A] : memref<320000xi32, #tpu.memory_space<hbm>> -> memref<10000xi32, #tpu.memory_space<hbm>>
      tpu.enqueue_dma source(%dma_start3A_119 : memref<10000xi32, #tpu.memory_space<hbm>>) target(%arg7 : memref<10000xi32, #tpu.memory_space<vmem>>) target_semaphore(%run_scoped3A : memref<!tpu.dma_semaphore, #tpu.memory_space<semaphore_mem>>)
      %dma_wait3A_120 = tpu.memref_slice %arg3[%add3A] : memref<320000xi32, #tpu.memory_space<hbm>> -> memref<10000xi32, #tpu.memory_space<hbm>>
      %dma_wait3A_121 = tpu.memref_slice %arg3[%add3A] : memref<320000xi32, #tpu.memory_space<hbm>> -> memref<10000xi32, #tpu.memory_space<hbm>>
      tpu.wait_dma2 semaphore(%run_scoped3A : memref<!tpu.dma_semaphore, #tpu.memory_space<semaphore_mem>>) src(%dma_wait3A_121 : memref<10000xi32, #tpu.memory_space<hbm>>) dst(%arg7 : memref<10000xi32, #tpu.memory_space<vmem>>)
      tpu.yield
    }) : () -> ()
    %mul3A_3 = arith.constant 10000 : i32
    %mul3A_4 = arith.muli %arg1, %mul3A_3 : i32
    "tpu.region"() ({
      %run_scoped3A = tpu.sem_alloc : memref<!tpu.dma_semaphore, #tpu.memory_space<semaphore_mem>>
      %dma_start3A_118 = tpu.memref_slice %arg4[%mul3A_4] : memref<160000xi32, #tpu.memory_space<hbm>> -> memref<10000xi32, #tpu.memory_space<hbm>>
      %dma_start3A_119 = tpu.memref_slice %arg4[%mul3A_4] : memref<160000xi32, #tpu.memory_space<hbm>> -> memref<10000xi32, #tpu.memory_space<hbm>>
      tpu.enqueue_dma source(%dma_start3A_119 : memref<10000xi32, #tpu.memory_space<hbm>>) target(%arg8 : memref<10000xi32, #tpu.memory_space<vmem>>) target_semaphore(%run_scoped3A : memref<!tpu.dma_semaphore, #tpu.memory_space<semaphore_mem>>)
      %dma_wait3A_120 = tpu.memref_slice %arg4[%mul3A_4] : memref<160000xi32, #tpu.memory_space<hbm>> -> memref<10000xi32, #tpu.memory_space<hbm>>
      %dma_wait3A_121 = tpu.memref_slice %arg4[%mul3A_4] : memref<160000xi32, #tpu.memory_space<hbm>> -> memref<10000xi32, #tpu.memory_space<hbm>>
      tpu.wait_dma2 semaphore(%run_scoped3A : memref<!tpu.dma_semaphore, #tpu.memory_space<semaphore_mem>>) src(%dma_wait3A_121 : memref<10000xi32, #tpu.memory_space<hbm>>) dst(%arg8 : memref<10000xi32, #tpu.memory_space<vmem>>)
      tpu.yield
    }) : () -> ()
    %dma_start3A = arith.constant 0 : i32
    %dma_start3A_5 = tpu.memref_slice %arg7[%dma_start3A] : memref<10000xi32, #tpu.memory_space<vmem>> -> memref<80xi32, #tpu.memory_space<vmem>>
    %dma_start3A_6 = arith.constant 0 : i32
    %dma_start3A_7 = arith.constant 0 : i32
    %dma_start3A_8 = tpu.memref_slice %arg2[%dma_start3A_6, %dma_start3A_7] : memref<20000x128xf32, #tpu.memory_space<hbm>> -> memref<20000x128xf32, #tpu.memory_space<hbm>>
    tpu.enqueue_indirect_dma source(%dma_start3A_8 : memref<20000x128xf32, #tpu.memory_space<hbm>>) target(%arg9 : memref<80x128xf32, #tpu.memory_space<vmem>>) offsets(%dma_start3A_5 : memref<80xi32, #tpu.memory_space<vmem>>) semaphore(%arg13 : memref<!tpu.dma_semaphore, #tpu.memory_space<semaphore_mem>>)
    %mul3A_9 = arith.constant 1000 : i32
    %mul3A_10 = arith.muli %arg1, %mul3A_9 : i32
    %lt3A = arith.constant 10 : i32
    %lt3A_11 = arith.cmpi slt, %arg1, %lt3A : i32
    %convert_element_type3A = arith.extui %lt3A_11 : i1 to i32
    %cond3A = arith.constant 0 : i32
    %cond3A_12 = arith.cmpi ne, %convert_element_type3A, %cond3A : i32
    scf.if %cond3A_12 {
      "tpu.region"() ({
        %run_scoped3A = tpu.sem_alloc : memref<!tpu.dma_semaphore, #tpu.memory_space<semaphore_mem>>
        %dma_start3A_118 = arith.constant 0 : i32
        %dma_start3A_119 = tpu.memref_slice %arg12[%mul3A_10, %dma_start3A_118] : memref<10000x128xf32, #tpu.memory_space<vmem_shared>> -> memref<1000x128xf32, #tpu.memory_space<vmem_shared>>
        tpu.enqueue_dma source(%arg5 : memref<1000x128xf32, #tpu.memory_space<hbm>>) target(%dma_start3A_119 : memref<1000x128xf32, #tpu.memory_space<vmem_shared>>) target_semaphore(%run_scoped3A : memref<!tpu.dma_semaphore, #tpu.memory_space<semaphore_mem>>)
        %dma_wait3A_120 = arith.constant 0 : i32
        %dma_wait3A_121 = tpu.memref_slice %arg12[%mul3A_10, %dma_wait3A_120] : memref<10000x128xf32, #tpu.memory_space<vmem_shared>> -> memref<1000x128xf32, #tpu.memory_space<vmem_shared>>
        tpu.wait_dma2 semaphore(%run_scoped3A : memref<!tpu.dma_semaphore, #tpu.memory_space<semaphore_mem>>) src(%arg5 : memref<1000x128xf32, #tpu.memory_space<hbm>>) dst(%dma_wait3A_121 : memref<1000x128xf32, #tpu.memory_space<vmem_shared>>)
        tpu.yield
      }) : () -> ()
    } else {
    }
    %barrier3A = arith.constant 0 : index
    tpu.barrier barrier_id(%barrier3A)
    %dma_start3A_13 = arith.constant 80 : i32
    %dma_start3A_14 = tpu.memref_slice %arg7[%dma_start3A_13] : memref<10000xi32, #tpu.memory_space<vmem>> -> memref<80xi32, #tpu.memory_space<vmem>>
    %dma_start3A_15 = arith.constant 0 : i32
    %dma_start3A_16 = arith.constant 0 : i32
    %dma_start3A_17 = tpu.memref_slice %arg2[%dma_start3A_15, %dma_start3A_16] : memref<20000x128xf32, #tpu.memory_space<hbm>> -> memref<20000x128xf32, #tpu.memory_space<hbm>>
    tpu.enqueue_indirect_dma source(%dma_start3A_17 : memref<20000x128xf32, #tpu.memory_space<hbm>>) target(%arg10 : memref<80x128xf32, #tpu.memory_space<vmem>>) offsets(%dma_start3A_14 : memref<80xi32, #tpu.memory_space<vmem>>) semaphore(%arg14 : memref<!tpu.dma_semaphore, #tpu.memory_space<semaphore_mem>>)
    %dma_wait3A = arith.constant 0 : i32
    %dma_wait3A_18 = tpu.memref_slice %arg7[%dma_wait3A] : memref<10000xi32, #tpu.memory_space<vmem>> -> memref<80xi32, #tpu.memory_space<vmem>>
    %dma_wait3A_19 = arith.constant 0 : i32
    %dma_wait3A_20 = arith.constant 0 : i32
    %dma_wait3A_21 = tpu.memref_slice %arg2[%dma_wait3A_19, %dma_wait3A_20] : memref<20000x128xf32, #tpu.memory_space<hbm>> -> memref<20000x128xf32, #tpu.memory_space<hbm>>
    tpu.wait_indirect_dma semaphore(%arg13 : memref<!tpu.dma_semaphore, #tpu.memory_space<semaphore_mem>>) src(%dma_wait3A_21 : memref<20000x128xf32, #tpu.memory_space<hbm>>) dst(%arg9 : memref<80x128xf32, #tpu.memory_space<vmem>>)
    %dma_start3A_22 = arith.constant 0 : i32
    %dma_start3A_23 = tpu.memref_slice %arg8[%dma_start3A_22] : memref<10000xi32, #tpu.memory_space<vmem>> -> memref<80xi32, #tpu.memory_space<vmem>>
    %dma_start3A_24 = arith.constant 0 : i32
    %dma_start3A_25 = arith.constant 0 : i32
    %dma_start3A_26 = tpu.memref_slice %arg12[%dma_start3A_24, %dma_start3A_25] : memref<10000x128xf32, #tpu.memory_space<vmem_shared>> -> memref<10000x128xf32, #tpu.memory_space<vmem_shared>>
    tpu.enqueue_indirect_dma source(%arg9 : memref<80x128xf32, #tpu.memory_space<vmem>>) target(%dma_start3A_26 : memref<10000x128xf32, #tpu.memory_space<vmem_shared>>) offsets(%dma_start3A_23 : memref<80xi32, #tpu.memory_space<vmem>>) semaphore(%arg16 : memref<!tpu.dma_semaphore, #tpu.memory_space<semaphore_mem>>) {add = true}
    %dma_start3A_27 = arith.constant 160 : i32
    %dma_start3A_28 = tpu.memref_slice %arg7[%dma_start3A_27] : memref<10000xi32, #tpu.memory_space<vmem>> -> memref<80xi32, #tpu.memory_space<vmem>>
    %dma_start3A_29 = arith.constant 0 : i32
    %dma_start3A_30 = arith.constant 0 : i32
    %dma_start3A_31 = tpu.memref_slice %arg2[%dma_start3A_29, %dma_start3A_30] : memref<20000x128xf32, #tpu.memory_space<hbm>> -> memref<20000x128xf32, #tpu.memory_space<hbm>>
    tpu.enqueue_indirect_dma source(%dma_start3A_31 : memref<20000x128xf32, #tpu.memory_space<hbm>>) target(%arg11 : memref<80x128xf32, #tpu.memory_space<vmem>>) offsets(%dma_start3A_28 : memref<80xi32, #tpu.memory_space<vmem>>) semaphore(%arg15 : memref<!tpu.dma_semaphore, #tpu.memory_space<semaphore_mem>>)
    %dma_wait3A_32 = arith.constant 80 : i32
    %dma_wait3A_33 = tpu.memref_slice %arg7[%dma_wait3A_32] : memref<10000xi32, #tpu.memory_space<vmem>> -> memref<80xi32, #tpu.memory_space<vmem>>
    %dma_wait3A_34 = arith.constant 0 : i32
    %dma_wait3A_35 = arith.constant 0 : i32
    %dma_wait3A_36 = tpu.memref_slice %arg2[%dma_wait3A_34, %dma_wait3A_35] : memref<20000x128xf32, #tpu.memory_space<hbm>> -> memref<20000x128xf32, #tpu.memory_space<hbm>>
    tpu.wait_indirect_dma semaphore(%arg14 : memref<!tpu.dma_semaphore, #tpu.memory_space<semaphore_mem>>) src(%dma_wait3A_36 : memref<20000x128xf32, #tpu.memory_space<hbm>>) dst(%arg10 : memref<80x128xf32, #tpu.memory_space<vmem>>)
    %dma_start3A_37 = arith.constant 80 : i32
    %dma_start3A_38 = tpu.memref_slice %arg8[%dma_start3A_37] : memref<10000xi32, #tpu.memory_space<vmem>> -> memref<80xi32, #tpu.memory_space<vmem>>
    %dma_start3A_39 = arith.constant 0 : i32
    %dma_start3A_40 = arith.constant 0 : i32
    %dma_start3A_41 = tpu.memref_slice %arg12[%dma_start3A_39, %dma_start3A_40] : memref<10000x128xf32, #tpu.memory_space<vmem_shared>> -> memref<10000x128xf32, #tpu.memory_space<vmem_shared>>
    tpu.enqueue_indirect_dma source(%arg10 : memref<80x128xf32, #tpu.memory_space<vmem>>) target(%dma_start3A_41 : memref<10000x128xf32, #tpu.memory_space<vmem_shared>>) offsets(%dma_start3A_38 : memref<80xi32, #tpu.memory_space<vmem>>) semaphore(%arg17 : memref<!tpu.dma_semaphore, #tpu.memory_space<semaphore_mem>>) {add = true}
    %scan3A = arith.constant 0 : i32
    %scan3A_42 = arith.constant 1 : i32
    %scan3A_43 = arith.constant 40 : i32
    %scan3A_44 = arith.addi %scan3A_42, %scan3A_43 : i32
    %scan3A_45 = arith.constant 1 : i32
    scf.for %scan3A_118 = %scan3A_42 to %scan3A_44 step %scan3A_45  : i32 {
      %mul3A_119 = arith.constant 3 : i32
      %mul3A_120 = arith.muli %mul3A_119, %scan3A_118 : i32
      %add3A_121 = arith.constant 0 : i32
      %add3A_122 = arith.addi %mul3A_120, %add3A_121 : i32
      %sub3A = arith.constant 3 : i32
      %sub3A_123 = arith.subi %add3A_122, %sub3A : i32
      %mul3A_124 = arith.constant 80 : i32
      %mul3A_125 = arith.muli %sub3A_123, %mul3A_124 : i32
      %dma_wait3A_126 = tpu.memref_slice %arg8[%mul3A_125] : memref<10000xi32, #tpu.memory_space<vmem>> -> memref<80xi32, #tpu.memory_space<vmem>>
      %dma_wait3A_127 = arith.constant 0 : i32
      %dma_wait3A_128 = arith.constant 0 : i32
      %dma_wait3A_129 = tpu.memref_slice %arg12[%dma_wait3A_127, %dma_wait3A_128] : memref<10000x128xf32, #tpu.memory_space<vmem_shared>> -> memref<10000x128xf32, #tpu.memory_space<vmem_shared>>
      tpu.wait_indirect_dma semaphore(%arg16 : memref<!tpu.dma_semaphore, #tpu.memory_space<semaphore_mem>>) src(%arg9 : memref<80x128xf32, #tpu.memory_space<vmem>>) dst(%dma_wait3A_129 : memref<10000x128xf32, #tpu.memory_space<vmem_shared>>)
      %mul3A_130 = arith.constant 80 : i32
      %mul3A_131 = arith.muli %add3A_122, %mul3A_130 : i32
      %dma_start3A_132 = tpu.memref_slice %arg7[%mul3A_131] : memref<10000xi32, #tpu.memory_space<vmem>> -> memref<80xi32, #tpu.memory_space<vmem>>
      %dma_start3A_133 = arith.constant 0 : i32
      %dma_start3A_134 = arith.constant 0 : i32
      %dma_start3A_135 = tpu.memref_slice %arg2[%dma_start3A_133, %dma_start3A_134] : memref<20000x128xf32, #tpu.memory_space<hbm>> -> memref<20000x128xf32, #tpu.memory_space<hbm>>
      tpu.enqueue_indirect_dma source(%dma_start3A_135 : memref<20000x128xf32, #tpu.memory_space<hbm>>) target(%arg9 : memref<80x128xf32, #tpu.memory_space<vmem>>) offsets(%dma_start3A_132 : memref<80xi32, #tpu.memory_space<vmem>>) semaphore(%arg13 : memref<!tpu.dma_semaphore, #tpu.memory_space<semaphore_mem>>)
      %sub3A_136 = arith.constant 1 : i32
      %sub3A_137 = arith.subi %add3A_122, %sub3A_136 : i32
      %mul3A_138 = arith.constant 80 : i32
      %mul3A_139 = arith.muli %sub3A_137, %mul3A_138 : i32
      %dma_wait3A_140 = tpu.memref_slice %arg7[%mul3A_139] : memref<10000xi32, #tpu.memory_space<vmem>> -> memref<80xi32, #tpu.memory_space<vmem>>
      %dma_wait3A_141 = arith.constant 0 : i32
      %dma_wait3A_142 = arith.constant 0 : i32
      %dma_wait3A_143 = tpu.memref_slice %arg2[%dma_wait3A_141, %dma_wait3A_142] : memref<20000x128xf32, #tpu.memory_space<hbm>> -> memref<20000x128xf32, #tpu.memory_space<hbm>>
      tpu.wait_indirect_dma semaphore(%arg15 : memref<!tpu.dma_semaphore, #tpu.memory_space<semaphore_mem>>) src(%dma_wait3A_143 : memref<20000x128xf32, #tpu.memory_space<hbm>>) dst(%arg11 : memref<80x128xf32, #tpu.memory_space<vmem>>)
      %sub3A_144 = arith.constant 1 : i32
      %sub3A_145 = arith.subi %add3A_122, %sub3A_144 : i32
      %mul3A_146 = arith.constant 80 : i32
      %mul3A_147 = arith.muli %sub3A_145, %mul3A_146 : i32
      %dma_start3A_148 = tpu.memref_slice %arg8[%mul3A_147] : memref<10000xi32, #tpu.memory_space<vmem>> -> memref<80xi32, #tpu.memory_space<vmem>>
      %dma_start3A_149 = arith.constant 0 : i32
      %dma_start3A_150 = arith.constant 0 : i32
      %dma_start3A_151 = tpu.memref_slice %arg12[%dma_start3A_149, %dma_start3A_150] : memref<10000x128xf32, #tpu.memory_space<vmem_shared>> -> memref<10000x128xf32, #tpu.memory_space<vmem_shared>>
      tpu.enqueue_indirect_dma source(%arg11 : memref<80x128xf32, #tpu.memory_space<vmem>>) target(%dma_start3A_151 : memref<10000x128xf32, #tpu.memory_space<vmem_shared>>) offsets(%dma_start3A_148 : memref<80xi32, #tpu.memory_space<vmem>>) semaphore(%arg18 : memref<!tpu.dma_semaphore, #tpu.memory_space<semaphore_mem>>) {add = true}
      %mul3A_152 = arith.constant 3 : i32
      %mul3A_153 = arith.muli %mul3A_152, %scan3A_118 : i32
      %add3A_154 = arith.constant 1 : i32
      %add3A_155 = arith.addi %mul3A_153, %add3A_154 : i32
      %sub3A_156 = arith.constant 3 : i32
      %sub3A_157 = arith.subi %add3A_155, %sub3A_156 : i32
      %mul3A_158 = arith.constant 80 : i32
      %mul3A_159 = arith.muli %sub3A_157, %mul3A_158 : i32
      %dma_wait3A_160 = tpu.memref_slice %arg8[%mul3A_159] : memref<10000xi32, #tpu.memory_space<vmem>> -> memref<80xi32, #tpu.memory_space<vmem>>
      %dma_wait3A_161 = arith.constant 0 : i32
      %dma_wait3A_162 = arith.constant 0 : i32
      %dma_wait3A_163 = tpu.memref_slice %arg12[%dma_wait3A_161, %dma_wait3A_162] : memref<10000x128xf32, #tpu.memory_space<vmem_shared>> -> memref<10000x128xf32, #tpu.memory_space<vmem_shared>>
      tpu.wait_indirect_dma semaphore(%arg17 : memref<!tpu.dma_semaphore, #tpu.memory_space<semaphore_mem>>) src(%arg10 : memref<80x128xf32, #tpu.memory_space<vmem>>) dst(%dma_wait3A_163 : memref<10000x128xf32, #tpu.memory_space<vmem_shared>>)
      %mul3A_164 = arith.constant 80 : i32
      %mul3A_165 = arith.muli %add3A_155, %mul3A_164 : i32
      %dma_start3A_166 = tpu.memref_slice %arg7[%mul3A_165] : memref<10000xi32, #tpu.memory_space<vmem>> -> memref<80xi32, #tpu.memory_space<vmem>>
      %dma_start3A_167 = arith.constant 0 : i32
      %dma_start3A_168 = arith.constant 0 : i32
      %dma_start3A_169 = tpu.memref_slice %arg2[%dma_start3A_167, %dma_start3A_168] : memref<20000x128xf32, #tpu.memory_space<hbm>> -> memref<20000x128xf32, #tpu.memory_space<hbm>>
      tpu.enqueue_indirect_dma source(%dma_start3A_169 : memref<20000x128xf32, #tpu.memory_space<hbm>>) target(%arg10 : memref<80x128xf32, #tpu.memory_space<vmem>>) offsets(%dma_start3A_166 : memref<80xi32, #tpu.memory_space<vmem>>) semaphore(%arg14 : memref<!tpu.dma_semaphore, #tpu.memory_space<semaphore_mem>>)
      %sub3A_170 = arith.constant 1 : i32
      %sub3A_171 = arith.subi %add3A_155, %sub3A_170 : i32
      %mul3A_172 = arith.constant 80 : i32
      %mul3A_173 = arith.muli %sub3A_171, %mul3A_172 : i32
      %dma_wait3A_174 = tpu.memref_slice %arg7[%mul3A_173] : memref<10000xi32, #tpu.memory_space<vmem>> -> memref<80xi32, #tpu.memory_space<vmem>>
      %dma_wait3A_175 = arith.constant 0 : i32
      %dma_wait3A_176 = arith.constant 0 : i32
      %dma_wait3A_177 = tpu.memref_slice %arg2[%dma_wait3A_175, %dma_wait3A_176] : memref<20000x128xf32, #tpu.memory_space<hbm>> -> memref<20000x128xf32, #tpu.memory_space<hbm>>
      tpu.wait_indirect_dma semaphore(%arg13 : memref<!tpu.dma_semaphore, #tpu.memory_space<semaphore_mem>>) src(%dma_wait3A_177 : memref<20000x128xf32, #tpu.memory_space<hbm>>) dst(%arg9 : memref<80x128xf32, #tpu.memory_space<vmem>>)
      %sub3A_178 = arith.constant 1 : i32
      %sub3A_179 = arith.subi %add3A_155, %sub3A_178 : i32
      %mul3A_180 = arith.constant 80 : i32
      %mul3A_181 = arith.muli %sub3A_179, %mul3A_180 : i32
      %dma_start3A_182 = tpu.memref_slice %arg8[%mul3A_181] : memref<10000xi32, #tpu.memory_space<vmem>> -> memref<80xi32, #tpu.memory_space<vmem>>
      %dma_start3A_183 = arith.constant 0 : i32
      %dma_start3A_184 = arith.constant 0 : i32
      %dma_start3A_185 = tpu.memref_slice %arg12[%dma_start3A_183, %dma_start3A_184] : memref<10000x128xf32, #tpu.memory_space<vmem_shared>> -> memref<10000x128xf32, #tpu.memory_space<vmem_shared>>
      tpu.enqueue_indirect_dma source(%arg9 : memref<80x128xf32, #tpu.memory_space<vmem>>) target(%dma_start3A_185 : memref<10000x128xf32, #tpu.memory_space<vmem_shared>>) offsets(%dma_start3A_182 : memref<80xi32, #tpu.memory_space<vmem>>) semaphore(%arg16 : memref<!tpu.dma_semaphore, #tpu.memory_space<semaphore_mem>>) {add = true}
      %mul3A_186 = arith.constant 3 : i32
      %mul3A_187 = arith.muli %mul3A_186, %scan3A_118 : i32
      %add3A_188 = arith.constant 2 : i32
      %add3A_189 = arith.addi %mul3A_187, %add3A_188 : i32
      %sub3A_190 = arith.constant 3 : i32
      %sub3A_191 = arith.subi %add3A_189, %sub3A_190 : i32
      %mul3A_192 = arith.constant 80 : i32
      %mul3A_193 = arith.muli %sub3A_191, %mul3A_192 : i32
      %dma_wait3A_194 = tpu.memref_slice %arg8[%mul3A_193] : memref<10000xi32, #tpu.memory_space<vmem>> -> memref<80xi32, #tpu.memory_space<vmem>>
      %dma_wait3A_195 = arith.constant 0 : i32
      %dma_wait3A_196 = arith.constant 0 : i32
      %dma_wait3A_197 = tpu.memref_slice %arg12[%dma_wait3A_195, %dma_wait3A_196] : memref<10000x128xf32, #tpu.memory_space<vmem_shared>> -> memref<10000x128xf32, #tpu.memory_space<vmem_shared>>
      tpu.wait_indirect_dma semaphore(%arg18 : memref<!tpu.dma_semaphore, #tpu.memory_space<semaphore_mem>>) src(%arg11 : memref<80x128xf32, #tpu.memory_space<vmem>>) dst(%dma_wait3A_197 : memref<10000x128xf32, #tpu.memory_space<vmem_shared>>)
      %mul3A_198 = arith.constant 80 : i32
      %mul3A_199 = arith.muli %add3A_189, %mul3A_198 : i32
      %dma_start3A_200 = tpu.memref_slice %arg7[%mul3A_199] : memref<10000xi32, #tpu.memory_space<vmem>> -> memref<80xi32, #tpu.memory_space<vmem>>
      %dma_start3A_201 = arith.constant 0 : i32
      %dma_start3A_202 = arith.constant 0 : i32
      %dma_start3A_203 = tpu.memref_slice %arg2[%dma_start3A_201, %dma_start3A_202] : memref<20000x128xf32, #tpu.memory_space<hbm>> -> memref<20000x128xf32, #tpu.memory_space<hbm>>
      tpu.enqueue_indirect_dma source(%dma_start3A_203 : memref<20000x128xf32, #tpu.memory_space<hbm>>) target(%arg11 : memref<80x128xf32, #tpu.memory_space<vmem>>) offsets(%dma_start3A_200 : memref<80xi32, #tpu.memory_space<vmem>>) semaphore(%arg15 : memref<!tpu.dma_semaphore, #tpu.memory_space<semaphore_mem>>)
      %sub3A_204 = arith.constant 1 : i32
      %sub3A_205 = arith.subi %add3A_189, %sub3A_204 : i32
      %mul3A_206 = arith.constant 80 : i32
      %mul3A_207 = arith.muli %sub3A_205, %mul3A_206 : i32
      %dma_wait3A_208 = tpu.memref_slice %arg7[%mul3A_207] : memref<10000xi32, #tpu.memory_space<vmem>> -> memref<80xi32, #tpu.memory_space<vmem>>
      %dma_wait3A_209 = arith.constant 0 : i32
      %dma_wait3A_210 = arith.constant 0 : i32
      %dma_wait3A_211 = tpu.memref_slice %arg2[%dma_wait3A_209, %dma_wait3A_210] : memref<20000x128xf32, #tpu.memory_space<hbm>> -> memref<20000x128xf32, #tpu.memory_space<hbm>>
      tpu.wait_indirect_dma semaphore(%arg14 : memref<!tpu.dma_semaphore, #tpu.memory_space<semaphore_mem>>) src(%dma_wait3A_211 : memref<20000x128xf32, #tpu.memory_space<hbm>>) dst(%arg10 : memref<80x128xf32, #tpu.memory_space<vmem>>)
      %sub3A_212 = arith.constant 1 : i32
      %sub3A_213 = arith.subi %add3A_189, %sub3A_212 : i32
      %mul3A_214 = arith.constant 80 : i32
      %mul3A_215 = arith.muli %sub3A_213, %mul3A_214 : i32
      %dma_start3A_216 = tpu.memref_slice %arg8[%mul3A_215] : memref<10000xi32, #tpu.memory_space<vmem>> -> memref<80xi32, #tpu.memory_space<vmem>>
      %dma_start3A_217 = arith.constant 0 : i32
      %dma_start3A_218 = arith.constant 0 : i32
      %dma_start3A_219 = tpu.memref_slice %arg12[%dma_start3A_217, %dma_start3A_218] : memref<10000x128xf32, #tpu.memory_space<vmem_shared>> -> memref<10000x128xf32, #tpu.memory_space<vmem_shared>>
      tpu.enqueue_indirect_dma source(%arg10 : memref<80x128xf32, #tpu.memory_space<vmem>>) target(%dma_start3A_219 : memref<10000x128xf32, #tpu.memory_space<vmem_shared>>) offsets(%dma_start3A_216 : memref<80xi32, #tpu.memory_space<vmem>>) semaphore(%arg17 : memref<!tpu.dma_semaphore, #tpu.memory_space<semaphore_mem>>) {add = true}
    }
    %scan3A_46 = arith.constant 40 : i32
    %dma_wait3A_47 = arith.constant 9600 : i32
    %dma_wait3A_48 = tpu.memref_slice %arg8[%dma_wait3A_47] : memref<10000xi32, #tpu.memory_space<vmem>> -> memref<80xi32, #tpu.memory_space<vmem>>
    %dma_wait3A_49 = arith.constant 0 : i32
    %dma_wait3A_50 = arith.constant 0 : i32
    %dma_wait3A_51 = tpu.memref_slice %arg12[%dma_wait3A_49, %dma_wait3A_50] : memref<10000x128xf32, #tpu.memory_space<vmem_shared>> -> memref<10000x128xf32, #tpu.memory_space<vmem_shared>>
    tpu.wait_indirect_dma semaphore(%arg16 : memref<!tpu.dma_semaphore, #tpu.memory_space<semaphore_mem>>) src(%arg9 : memref<80x128xf32, #tpu.memory_space<vmem>>) dst(%dma_wait3A_51 : memref<10000x128xf32, #tpu.memory_space<vmem_shared>>)
    %dma_start3A_52 = arith.constant 9840 : i32
    %dma_start3A_53 = tpu.memref_slice %arg7[%dma_start3A_52] : memref<10000xi32, #tpu.memory_space<vmem>> -> memref<80xi32, #tpu.memory_space<vmem>>
    %dma_start3A_54 = arith.constant 0 : i32
    %dma_start3A_55 = arith.constant 0 : i32
    %dma_start3A_56 = tpu.memref_slice %arg2[%dma_start3A_54, %dma_start3A_55] : memref<20000x128xf32, #tpu.memory_space<hbm>> -> memref<20000x128xf32, #tpu.memory_space<hbm>>
    tpu.enqueue_indirect_dma source(%dma_start3A_56 : memref<20000x128xf32, #tpu.memory_space<hbm>>) target(%arg9 : memref<80x128xf32, #tpu.memory_space<vmem>>) offsets(%dma_start3A_53 : memref<80xi32, #tpu.memory_space<vmem>>) semaphore(%arg13 : memref<!tpu.dma_semaphore, #tpu.memory_space<semaphore_mem>>)
    %dma_wait3A_57 = arith.constant 9760 : i32
    %dma_wait3A_58 = tpu.memref_slice %arg7[%dma_wait3A_57] : memref<10000xi32, #tpu.memory_space<vmem>> -> memref<80xi32, #tpu.memory_space<vmem>>
    %dma_wait3A_59 = arith.constant 0 : i32
    %dma_wait3A_60 = arith.constant 0 : i32
    %dma_wait3A_61 = tpu.memref_slice %arg2[%dma_wait3A_59, %dma_wait3A_60] : memref<20000x128xf32, #tpu.memory_space<hbm>> -> memref<20000x128xf32, #tpu.memory_space<hbm>>
    tpu.wait_indirect_dma semaphore(%arg15 : memref<!tpu.dma_semaphore, #tpu.memory_space<semaphore_mem>>) src(%dma_wait3A_61 : memref<20000x128xf32, #tpu.memory_space<hbm>>) dst(%arg11 : memref<80x128xf32, #tpu.memory_space<vmem>>)
    %dma_start3A_62 = arith.constant 9760 : i32
    %dma_start3A_63 = tpu.memref_slice %arg8[%dma_start3A_62] : memref<10000xi32, #tpu.memory_space<vmem>> -> memref<80xi32, #tpu.memory_space<vmem>>
    %dma_start3A_64 = arith.constant 0 : i32
    %dma_start3A_65 = arith.constant 0 : i32
    %dma_start3A_66 = tpu.memref_slice %arg12[%dma_start3A_64, %dma_start3A_65] : memref<10000x128xf32, #tpu.memory_space<vmem_shared>> -> memref<10000x128xf32, #tpu.memory_space<vmem_shared>>
    tpu.enqueue_indirect_dma source(%arg11 : memref<80x128xf32, #tpu.memory_space<vmem>>) target(%dma_start3A_66 : memref<10000x128xf32, #tpu.memory_space<vmem_shared>>) offsets(%dma_start3A_63 : memref<80xi32, #tpu.memory_space<vmem>>) semaphore(%arg18 : memref<!tpu.dma_semaphore, #tpu.memory_space<semaphore_mem>>) {add = true}
    %dma_wait3A_67 = arith.constant 9680 : i32
    %dma_wait3A_68 = tpu.memref_slice %arg8[%dma_wait3A_67] : memref<10000xi32, #tpu.memory_space<vmem>> -> memref<80xi32, #tpu.memory_space<vmem>>
    %dma_wait3A_69 = arith.constant 0 : i32
    %dma_wait3A_70 = arith.constant 0 : i32
    %dma_wait3A_71 = tpu.memref_slice %arg12[%dma_wait3A_69, %dma_wait3A_70] : memref<10000x128xf32, #tpu.memory_space<vmem_shared>> -> memref<10000x128xf32, #tpu.memory_space<vmem_shared>>
    tpu.wait_indirect_dma semaphore(%arg17 : memref<!tpu.dma_semaphore, #tpu.memory_space<semaphore_mem>>) src(%arg10 : memref<80x128xf32, #tpu.memory_space<vmem>>) dst(%dma_wait3A_71 : memref<10000x128xf32, #tpu.memory_space<vmem_shared>>)
    %dma_start3A_72 = arith.constant 9920 : i32
    %dma_start3A_73 = tpu.memref_slice %arg7[%dma_start3A_72] : memref<10000xi32, #tpu.memory_space<vmem>> -> memref<80xi32, #tpu.memory_space<vmem>>
    %dma_start3A_74 = arith.constant 0 : i32
    %dma_start3A_75 = arith.constant 0 : i32
    %dma_start3A_76 = tpu.memref_slice %arg2[%dma_start3A_74, %dma_start3A_75] : memref<20000x128xf32, #tpu.memory_space<hbm>> -> memref<20000x128xf32, #tpu.memory_space<hbm>>
    tpu.enqueue_indirect_dma source(%dma_start3A_76 : memref<20000x128xf32, #tpu.memory_space<hbm>>) target(%arg10 : memref<80x128xf32, #tpu.memory_space<vmem>>) offsets(%dma_start3A_73 : memref<80xi32, #tpu.memory_space<vmem>>) semaphore(%arg14 : memref<!tpu.dma_semaphore, #tpu.memory_space<semaphore_mem>>)
    %dma_wait3A_77 = arith.constant 9840 : i32
    %dma_wait3A_78 = tpu.memref_slice %arg7[%dma_wait3A_77] : memref<10000xi32, #tpu.memory_space<vmem>> -> memref<80xi32, #tpu.memory_space<vmem>>
    %dma_wait3A_79 = arith.constant 0 : i32
    %dma_wait3A_80 = arith.constant 0 : i32
    %dma_wait3A_81 = tpu.memref_slice %arg2[%dma_wait3A_79, %dma_wait3A_80] : memref<20000x128xf32, #tpu.memory_space<hbm>> -> memref<20000x128xf32, #tpu.memory_space<hbm>>
    tpu.wait_indirect_dma semaphore(%arg13 : memref<!tpu.dma_semaphore, #tpu.memory_space<semaphore_mem>>) src(%dma_wait3A_81 : memref<20000x128xf32, #tpu.memory_space<hbm>>) dst(%arg9 : memref<80x128xf32, #tpu.memory_space<vmem>>)
    %dma_start3A_82 = arith.constant 9840 : i32
    %dma_start3A_83 = tpu.memref_slice %arg8[%dma_start3A_82] : memref<10000xi32, #tpu.memory_space<vmem>> -> memref<80xi32, #tpu.memory_space<vmem>>
    %dma_start3A_84 = arith.constant 0 : i32
    %dma_start3A_85 = arith.constant 0 : i32
    %dma_start3A_86 = tpu.memref_slice %arg12[%dma_start3A_84, %dma_start3A_85] : memref<10000x128xf32, #tpu.memory_space<vmem_shared>> -> memref<10000x128xf32, #tpu.memory_space<vmem_shared>>
    tpu.enqueue_indirect_dma source(%arg9 : memref<80x128xf32, #tpu.memory_space<vmem>>) target(%dma_start3A_86 : memref<10000x128xf32, #tpu.memory_space<vmem_shared>>) offsets(%dma_start3A_83 : memref<80xi32, #tpu.memory_space<vmem>>) semaphore(%arg16 : memref<!tpu.dma_semaphore, #tpu.memory_space<semaphore_mem>>) {add = true}
    %dma_wait3A_87 = arith.constant 9760 : i32
    %dma_wait3A_88 = tpu.memref_slice %arg8[%dma_wait3A_87] : memref<10000xi32, #tpu.memory_space<vmem>> -> memref<80xi32, #tpu.memory_space<vmem>>
    %dma_wait3A_89 = arith.constant 0 : i32
    %dma_wait3A_90 = arith.constant 0 : i32
    %dma_wait3A_91 = tpu.memref_slice %arg12[%dma_wait3A_89, %dma_wait3A_90] : memref<10000x128xf32, #tpu.memory_space<vmem_shared>> -> memref<10000x128xf32, #tpu.memory_space<vmem_shared>>
    tpu.wait_indirect_dma semaphore(%arg18 : memref<!tpu.dma_semaphore, #tpu.memory_space<semaphore_mem>>) src(%arg11 : memref<80x128xf32, #tpu.memory_space<vmem>>) dst(%dma_wait3A_91 : memref<10000x128xf32, #tpu.memory_space<vmem_shared>>)
    %dma_wait3A_92 = arith.constant 9920 : i32
    %dma_wait3A_93 = tpu.memref_slice %arg7[%dma_wait3A_92] : memref<10000xi32, #tpu.memory_space<vmem>> -> memref<80xi32, #tpu.memory_space<vmem>>
    %dma_wait3A_94 = arith.constant 0 : i32
    %dma_wait3A_95 = arith.constant 0 : i32
    %dma_wait3A_96 = tpu.memref_slice %arg2[%dma_wait3A_94, %dma_wait3A_95] : memref<20000x128xf32, #tpu.memory_space<hbm>> -> memref<20000x128xf32, #tpu.memory_space<hbm>>
    tpu.wait_indirect_dma semaphore(%arg14 : memref<!tpu.dma_semaphore, #tpu.memory_space<semaphore_mem>>) src(%dma_wait3A_96 : memref<20000x128xf32, #tpu.memory_space<hbm>>) dst(%arg10 : memref<80x128xf32, #tpu.memory_space<vmem>>)
    %dma_start3A_97 = arith.constant 9920 : i32
    %dma_start3A_98 = tpu.memref_slice %arg8[%dma_start3A_97] : memref<10000xi32, #tpu.memory_space<vmem>> -> memref<80xi32, #tpu.memory_space<vmem>>
    %dma_start3A_99 = arith.constant 0 : i32
    %dma_start3A_100 = arith.constant 0 : i32
    %dma_start3A_101 = tpu.memref_slice %arg12[%dma_start3A_99, %dma_start3A_100] : memref<10000x128xf32, #tpu.memory_space<vmem_shared>> -> memref<10000x128xf32, #tpu.memory_space<vmem_shared>>
    tpu.enqueue_indirect_dma source(%arg10 : memref<80x128xf32, #tpu.memory_space<vmem>>) target(%dma_start3A_101 : memref<10000x128xf32, #tpu.memory_space<vmem_shared>>) offsets(%dma_start3A_98 : memref<80xi32, #tpu.memory_space<vmem>>) semaphore(%arg17 : memref<!tpu.dma_semaphore, #tpu.memory_space<semaphore_mem>>) {add = true}
    %dma_wait3A_102 = arith.constant 9840 : i32
    %dma_wait3A_103 = tpu.memref_slice %arg8[%dma_wait3A_102] : memref<10000xi32, #tpu.memory_space<vmem>> -> memref<80xi32, #tpu.memory_space<vmem>>
    %dma_wait3A_104 = arith.constant 0 : i32
    %dma_wait3A_105 = arith.constant 0 : i32
    %dma_wait3A_106 = tpu.memref_slice %arg12[%dma_wait3A_104, %dma_wait3A_105] : memref<10000x128xf32, #tpu.memory_space<vmem_shared>> -> memref<10000x128xf32, #tpu.memory_space<vmem_shared>>
    tpu.wait_indirect_dma semaphore(%arg16 : memref<!tpu.dma_semaphore, #tpu.memory_space<semaphore_mem>>) src(%arg9 : memref<80x128xf32, #tpu.memory_space<vmem>>) dst(%dma_wait3A_106 : memref<10000x128xf32, #tpu.memory_space<vmem_shared>>)
    %dma_wait3A_107 = arith.constant 9920 : i32
    %dma_wait3A_108 = tpu.memref_slice %arg8[%dma_wait3A_107] : memref<10000xi32, #tpu.memory_space<vmem>> -> memref<80xi32, #tpu.memory_space<vmem>>
    %dma_wait3A_109 = arith.constant 0 : i32
    %dma_wait3A_110 = arith.constant 0 : i32
    %dma_wait3A_111 = tpu.memref_slice %arg12[%dma_wait3A_109, %dma_wait3A_110] : memref<10000x128xf32, #tpu.memory_space<vmem_shared>> -> memref<10000x128xf32, #tpu.memory_space<vmem_shared>>
    tpu.wait_indirect_dma semaphore(%arg17 : memref<!tpu.dma_semaphore, #tpu.memory_space<semaphore_mem>>) src(%arg10 : memref<80x128xf32, #tpu.memory_space<vmem>>) dst(%dma_wait3A_111 : memref<10000x128xf32, #tpu.memory_space<vmem_shared>>)
    %barrier3A_112 = arith.constant 0 : index
    tpu.barrier barrier_id(%barrier3A_112)
    %lt3A_113 = arith.constant 10 : i32
    %lt3A_114 = arith.cmpi slt, %arg1, %lt3A_113 : i32
    %convert_element_type3A_115 = arith.extui %lt3A_114 : i1 to i32
    %cond3A_116 = arith.constant 0 : i32
    %cond3A_117 = arith.cmpi ne, %convert_element_type3A_115, %cond3A_116 : i32
    scf.if %cond3A_117 {
      "tpu.region"() ({
        %run_scoped3A = tpu.sem_alloc : memref<!tpu.dma_semaphore, #tpu.memory_space<semaphore_mem>>
        %dma_start3A_118 = arith.constant 0 : i32
        %dma_start3A_119 = tpu.memref_slice %arg6[%arg0, %mul3A_10, %dma_start3A_118] : memref<2x10000x128xf32, #tpu.memory_space<hbm>> -> memref<1x1000x128xf32, #tpu.memory_space<hbm>>
        %dma_start3A_120 = tpu.memref_squeeze %dma_start3A_119 : memref<1x1000x128xf32, #tpu.memory_space<hbm>> -> memref<1000x128xf32, #tpu.memory_space<hbm>>
        %dma_start3A_121 = arith.constant 0 : i32
        %dma_start3A_122 = tpu.memref_slice %arg12[%mul3A_10, %dma_start3A_121] : memref<10000x128xf32, #tpu.memory_space<vmem_shared>> -> memref<1000x128xf32, #tpu.memory_space<vmem_shared>>
        tpu.enqueue_dma source(%dma_start3A_122 : memref<1000x128xf32, #tpu.memory_space<vmem_shared>>) target(%dma_start3A_120 : memref<1000x128xf32, #tpu.memory_space<hbm>>) target_semaphore(%run_scoped3A : memref<!tpu.dma_semaphore, #tpu.memory_space<semaphore_mem>>)
        %dma_wait3A_123 = arith.constant 0 : i32
        %dma_wait3A_124 = tpu.memref_slice %arg6[%arg0, %mul3A_10, %dma_wait3A_123] : memref<2x10000x128xf32, #tpu.memory_space<hbm>> -> memref<1x1000x128xf32, #tpu.memory_space<hbm>>
        %dma_wait3A_125 = tpu.memref_squeeze %dma_wait3A_124 : memref<1x1000x128xf32, #tpu.memory_space<hbm>> -> memref<1000x128xf32, #tpu.memory_space<hbm>>
        %dma_wait3A_126 = arith.constant 0 : i32
        %dma_wait3A_127 = tpu.memref_slice %arg12[%mul3A_10, %dma_wait3A_126] : memref<10000x128xf32, #tpu.memory_space<vmem_shared>> -> memref<1000x128xf32, #tpu.memory_space<vmem_shared>>
        tpu.wait_dma2 semaphore(%run_scoped3A : memref<!tpu.dma_semaphore, #tpu.memory_space<semaphore_mem>>) src(%dma_wait3A_127 : memref<1000x128xf32, #tpu.memory_space<vmem_shared>>) dst(%dma_wait3A_125 : memref<1000x128xf32, #tpu.memory_space<hbm>>)
        tpu.yield
      }) : () -> ()
    } else {
    }
    return
  }
}

module attributes {stable_mosaic.version = 14 : i64} {
  func.func @_dense_body(%arg0: i32, %arg1: memref<2000x256xf32, #tpu.memory_space<vmem>>, %arg2: memref<1x2000x128xf32, #tpu.memory_space<vmem>>, %arg3: memref<1x2000x128xf32, #tpu.memory_space<vmem>>, %arg4: memref<256x256xf32, #tpu.memory_space<vmem>>, %arg5: memref<1x256xf32, #tpu.memory_space<vmem>>, %arg6: memref<256x256xf32, #tpu.memory_space<vmem>>, %arg7: memref<1x256xf32, #tpu.memory_space<vmem>>, %arg8: memref<1x1xf32, #tpu.memory_space<vmem>>, %arg9: memref<1x256xf32, #tpu.memory_space<vmem>>, %arg10: memref<1x256xf32, #tpu.memory_space<vmem>>, %arg11: memref<2000x256xf32, #tpu.memory_space<vmem>>) attributes {dimension_semantics = [#tpu.dimension_semantics<arbitrary>], iteration_bounds = array<i64: 5>, scalar_prefetch = 0 : i64, scratch_operands = 0 : i64, tpu.core_type = #tpu.core_type<tc>, window_params = [{transform_indices = @transform_0, window_bounds = array<i64: 2000, 256>}, {transform_indices = @transform_1, window_bounds = array<i64: 1, 2000, 128>}, {transform_indices = @transform_2, window_bounds = array<i64: 1, 2000, 128>}, {pipeline_mode = #tpu.pipeline_mode<synchronous>, transform_indices = @transform_3, window_bounds = array<i64: 256, 256>}, {pipeline_mode = #tpu.pipeline_mode<synchronous>, transform_indices = @transform_4, window_bounds = array<i64: 1, 256>}, {pipeline_mode = #tpu.pipeline_mode<synchronous>, transform_indices = @transform_5, window_bounds = array<i64: 256, 256>}, {pipeline_mode = #tpu.pipeline_mode<synchronous>, transform_indices = @transform_6, window_bounds = array<i64: 1, 256>}, {pipeline_mode = #tpu.pipeline_mode<synchronous>, transform_indices = @transform_7, window_bounds = array<i64: 1, 1>}, {pipeline_mode = #tpu.pipeline_mode<synchronous>, transform_indices = @transform_8, window_bounds = array<i64: 1, 256>}, {pipeline_mode = #tpu.pipeline_mode<synchronous>, transform_indices = @transform_9, window_bounds = array<i64: 1, 256>}, {transform_indices = @transform_10, window_bounds = array<i64: 2000, 256>}]} {
    %get3A = arith.constant 0 : index
    %get3A_0 = arith.constant 0 : index
    %get3A_1 = vector.load %arg1[%get3A, %get3A_0] : memref<2000x256xf32, #tpu.memory_space<vmem>>, vector<2000x256xf32>
    %get3A_2 = arith.constant 0 : index
    %get3A_3 = arith.constant 0 : index
    %get3A_4 = arith.constant 0 : index
    %get3A_5 = vector.load %arg2[%get3A_2, %get3A_3, %get3A_4] : memref<1x2000x128xf32, #tpu.memory_space<vmem>>, vector<1x2000x128xf32>
    %get3A_6 = vector.shape_cast %get3A_5 : vector<1x2000x128xf32> to vector<2000x128xf32>
    %get3A_7 = arith.constant 0 : index
    %get3A_8 = arith.constant 0 : index
    %get3A_9 = arith.constant 0 : index
    %get3A_10 = vector.load %arg3[%get3A_7, %get3A_8, %get3A_9] : memref<1x2000x128xf32, #tpu.memory_space<vmem>>, vector<1x2000x128xf32>
    %get3A_11 = vector.shape_cast %get3A_10 : vector<1x2000x128xf32> to vector<2000x128xf32>
    %concatenate3A = tpu.concatenate %get3A_6, %get3A_11 in 1 : vector<2000x128xf32>, vector<2000x128xf32> -> vector<2000x256xf32>
    %get3A_12 = arith.constant 0 : index
    %get3A_13 = arith.constant 0 : index
    %get3A_14 = vector.load %arg8[%get3A_12, %get3A_13] : memref<1x1xf32, #tpu.memory_space<vmem>>, vector<1x1xf32>
    %mul3A = vector.broadcast %get3A_14 : vector<1x1xf32> to vector<2000x256xf32>
    %mul3A_15 = arith.mulf %get3A_1, %mul3A : vector<2000x256xf32>
    %add3A = arith.addf %mul3A_15, %concatenate3A : vector<2000x256xf32>
    %get3A_16 = arith.constant 0 : index
    %get3A_17 = arith.constant 0 : index
    %get3A_18 = vector.load %arg4[%get3A_16, %get3A_17] : memref<256x256xf32, #tpu.memory_space<vmem>>, vector<256x256xf32>
    %dot_general3A = arith.constant dense<0.000000e+00> : vector<2000x256xf32>
    %dot_general3A_19 = tpu.matmul %add3A, %get3A_18, %dot_general3A {dimension_numbers = #tpu.dot_dimension_numbers<[1], [0], [0], [1], [0, 0, 1, 1], [], []>, transpose_lhs_hint = false} : vector<2000x256xf32>, vector<256x256xf32>, vector<2000x256xf32> -> vector<2000x256xf32>
    %get3A_20 = arith.constant 0 : index
    %get3A_21 = arith.constant 0 : index
    %get3A_22 = vector.load %arg5[%get3A_20, %get3A_21] : memref<1x256xf32, #tpu.memory_space<vmem>>, vector<1x256xf32>
    %add3A_23 = vector.broadcast %get3A_22 : vector<1x256xf32> to vector<2000x256xf32>
    %add3A_24 = arith.addf %dot_general3A_19, %add3A_23 : vector<2000x256xf32>
    %max3A = arith.constant 0.000000e+00 : f32
    %max3A_25 = vector.broadcast %max3A : f32 to vector<2000x256xf32>
    %max3A_26 = arith.maximumf %add3A_24, %max3A_25 : vector<2000x256xf32>
    %get3A_27 = arith.constant 0 : index
    %get3A_28 = arith.constant 0 : index
    %get3A_29 = vector.load %arg6[%get3A_27, %get3A_28] : memref<256x256xf32, #tpu.memory_space<vmem>>, vector<256x256xf32>
    %dot_general3A_30 = arith.constant dense<0.000000e+00> : vector<2000x256xf32>
    %dot_general3A_31 = tpu.matmul %max3A_26, %get3A_29, %dot_general3A_30 {dimension_numbers = #tpu.dot_dimension_numbers<[1], [0], [0], [1], [0, 0, 1, 1], [], []>, transpose_lhs_hint = false} : vector<2000x256xf32>, vector<256x256xf32>, vector<2000x256xf32> -> vector<2000x256xf32>
    %get3A_32 = arith.constant 0 : index
    %get3A_33 = arith.constant 0 : index
    %get3A_34 = vector.load %arg7[%get3A_32, %get3A_33] : memref<1x256xf32, #tpu.memory_space<vmem>>, vector<1x256xf32>
    %add3A_35 = vector.broadcast %get3A_34 : vector<1x256xf32> to vector<2000x256xf32>
    %add3A_36 = arith.addf %dot_general3A_31, %add3A_35 : vector<2000x256xf32>
    %add3A_37 = arith.addf %add3A_36, %get3A_1 : vector<2000x256xf32>
    %reduce_sum3A = arith.constant dense<0.000000e+00> : vector<2000xf32>
    %reduce_sum3A_38 = vector.multi_reduction <add>, %add3A_37, %reduce_sum3A [1] : vector<2000x256xf32> to vector<2000xf32>
    %broadcast_in_dim3A = vector.shape_cast %reduce_sum3A_38 : vector<2000xf32> to vector<2000x1xf32>
    %div3A = arith.constant 2.560000e+02 : f32
    %div3A_39 = vector.broadcast %div3A : f32 to vector<2000x1xf32>
    %div3A_40 = arith.divf %broadcast_in_dim3A, %div3A_39 : vector<2000x1xf32>
    %sub3A = vector.broadcast %div3A_40 : vector<2000x1xf32> to vector<2000x256xf32>
    %sub3A_41 = arith.subf %add3A_37, %sub3A : vector<2000x256xf32>
    %mul3A_42 = arith.mulf %sub3A_41, %sub3A_41 : vector<2000x256xf32>
    %reduce_sum3A_43 = arith.constant dense<0.000000e+00> : vector<2000xf32>
    %reduce_sum3A_44 = vector.multi_reduction <add>, %mul3A_42, %reduce_sum3A_43 [1] : vector<2000x256xf32> to vector<2000xf32>
    %broadcast_in_dim3A_45 = vector.shape_cast %reduce_sum3A_44 : vector<2000xf32> to vector<2000x1xf32>
    %div3A_46 = arith.constant 2.560000e+02 : f32
    %div3A_47 = vector.broadcast %div3A_46 : f32 to vector<2000x1xf32>
    %div3A_48 = arith.divf %broadcast_in_dim3A_45, %div3A_47 : vector<2000x1xf32>
    %add3A_49 = arith.constant 9.99999974E-6 : f32
    %add3A_50 = vector.broadcast %add3A_49 : f32 to vector<2000x1xf32>
    %add3A_51 = arith.addf %div3A_48, %add3A_50 : vector<2000x1xf32>
    %rsqrt3A = math.rsqrt %add3A_51 : vector<2000x1xf32>
    %mul3A_52 = vector.broadcast %rsqrt3A : vector<2000x1xf32> to vector<2000x256xf32>
    %mul3A_53 = arith.mulf %sub3A_41, %mul3A_52 : vector<2000x256xf32>
    %get3A_54 = arith.constant 0 : index
    %get3A_55 = arith.constant 0 : index
    %get3A_56 = vector.load %arg9[%get3A_54, %get3A_55] : memref<1x256xf32, #tpu.memory_space<vmem>>, vector<1x256xf32>
    %mul3A_57 = vector.broadcast %get3A_56 : vector<1x256xf32> to vector<2000x256xf32>
    %mul3A_58 = arith.mulf %mul3A_53, %mul3A_57 : vector<2000x256xf32>
    %get3A_59 = arith.constant 0 : index
    %get3A_60 = arith.constant 0 : index
    %get3A_61 = vector.load %arg10[%get3A_59, %get3A_60] : memref<1x256xf32, #tpu.memory_space<vmem>>, vector<1x256xf32>
    %add3A_62 = vector.broadcast %get3A_61 : vector<1x256xf32> to vector<2000x256xf32>
    %add3A_63 = arith.addf %mul3A_58, %add3A_62 : vector<2000x256xf32>
    %max3A_64 = arith.constant 0.000000e+00 : f32
    %max3A_65 = vector.broadcast %max3A_64 : f32 to vector<2000x256xf32>
    %max3A_66 = arith.maximumf %add3A_63, %max3A_65 : vector<2000x256xf32>
    %swap3A = arith.constant 0 : index
    %swap3A_67 = arith.constant 0 : index
    %swap3A_68 = vector.load %arg11[%swap3A, %swap3A_67] : memref<2000x256xf32, #tpu.memory_space<vmem>>, vector<2000x256xf32>
    tpu.vector_store %arg11[%swap3A, %swap3A_67], %max3A_66 {strides = array<i32>} : memref<2000x256xf32, #tpu.memory_space<vmem>>, vector<2000x256xf32>,
    return
  }
  func.func @transform_0(%arg0: i32) -> (i32, i32) {
    %c0_i32 = arith.constant 0 : i32
    %c0_i32_0 = arith.constant 0 : i32
    return %arg0, %c0_i32 : i32, i32
  }
  func.func @transform_1(%arg0: i32) -> (i32, i32, i32) {
    %c0_i32 = arith.constant 0 : i32
    %c0_i32_0 = arith.constant 0 : i32
    %c0_i32_1 = arith.constant 0 : i32
    return %c0_i32, %arg0, %c0_i32_0 : i32, i32, i32
  }
  func.func @transform_2(%arg0: i32) -> (i32, i32, i32) {
    %c1_i32 = arith.constant 1 : i32
    %c0_i32 = arith.constant 0 : i32
    %c0_i32_0 = arith.constant 0 : i32
    return %c1_i32, %arg0, %c0_i32 : i32, i32, i32
  }
  func.func @transform_3(%arg0: i32) -> (i32, i32) {
    %c0_i32 = arith.constant 0 : i32
    %c0_i32_0 = arith.constant 0 : i32
    %c0_i32_1 = arith.constant 0 : i32
    return %c0_i32, %c0_i32_0 : i32, i32
  }
  func.func @transform_4(%arg0: i32) -> (i32, i32) {
    %c0_i32 = arith.constant 0 : i32
    %c0_i32_0 = arith.constant 0 : i32
    %c0_i32_1 = arith.constant 0 : i32
    return %c0_i32, %c0_i32_0 : i32, i32
  }
  func.func @transform_5(%arg0: i32) -> (i32, i32) {
    %c0_i32 = arith.constant 0 : i32
    %c0_i32_0 = arith.constant 0 : i32
    %c0_i32_1 = arith.constant 0 : i32
    return %c0_i32, %c0_i32_0 : i32, i32
  }
  func.func @transform_6(%arg0: i32) -> (i32, i32) {
    %c0_i32 = arith.constant 0 : i32
    %c0_i32_0 = arith.constant 0 : i32
    %c0_i32_1 = arith.constant 0 : i32
    return %c0_i32, %c0_i32_0 : i32, i32
  }
  func.func @transform_7(%arg0: i32) -> (i32, i32) {
    %c0_i32 = arith.constant 0 : i32
    %c0_i32_0 = arith.constant 0 : i32
    %c0_i32_1 = arith.constant 0 : i32
    return %c0_i32, %c0_i32_0 : i32, i32
  }
  func.func @transform_8(%arg0: i32) -> (i32, i32) {
    %c0_i32 = arith.constant 0 : i32
    %c0_i32_0 = arith.constant 0 : i32
    %c0_i32_1 = arith.constant 0 : i32
    return %c0_i32, %c0_i32_0 : i32, i32
  }
  func.func @transform_9(%arg0: i32) -> (i32, i32) {
    %c0_i32 = arith.constant 0 : i32
    %c0_i32_0 = arith.constant 0 : i32
    %c0_i32_1 = arith.constant 0 : i32
    return %c0_i32, %c0_i32_0 : i32, i32
  }
  func.func @transform_10(%arg0: i32) -> (i32, i32) {
    %c0_i32 = arith.constant 0 : i32
    %c0_i32_0 = arith.constant 0 : i32
    return %arg0, %c0_i32 : i32, i32
  }
}

</mosaic_0001>

<sc_bundles>
// kernel: kernel.4.cloned.1.call-start
scs
__scs_entry_jumppad:
0x0: {  	(pc) =	sbr.rel $0x88, $3  }
0x1: {  	(tag) =	ssettag $0x0;
	lr =	simm.s32 $0x1  }
0x2: {  	[smem:$0x3F98] =	sst lr;
	_ =	strace $0xD0000000  }
0x3: {  	_ = 	snop  }
0x4: {  	_ = 	snop  }
0x5: {  	_ = 	snop  }
0x6: {  	_ = 	snop  }
0x7: {  	_ = 	snop  }
__scs_overlays_trampoline_lowered:
0x8: {  	[smem:$0x3FA7] =	sst s0  }
0x9: {  	[smem:$0x3FA8] =	sst s1  }
0xa: {  	[smem:$0x3FA9] =	sst s2  }
0xb: {  	[smem:$0x3FAA] =	sst s3  }
0xc: {  	[smem:$0x3FAB] =	sst s4  }
0xd: {  	[smem:$0x3FAC] =	sst s5  }
0xe: {  	[smem:$0x3FAD] =	sst s6  }
0xf: {  	[smem:$0x3FAE] =	sst s7  }
0x10: {  	[smem:$0x3FAF] =	sst s8  }
0x11: {  	[smem:$0x3FB0] =	sst s9;
	s0 =	simm.s32 @!p0 $0x0  }
0x12: {  	s1 =	sld [smem:$0x3F96];
	s0 =	simm.s32 @p0 $0x1  }
0x13: {  	[smem:$0x3FB1] =	sst s0;
	s0 =	simm.s32 @!p1 $0x0  }
0x14: {  	s2 =	sld [smem:$0x3F95];
	s0 =	simm.s32 @p1 $0x1  }
0x15: {  	[smem:$0x3FB2] =	sst s0;
	s0 =	simm.s32 @!p2 $0x0  }
0x16: {  	s3 =	sld [smem:$0x3FDB];
	s0 =	simm.s32 @p2 $0x1  }
0x17: {  	s4 =	simm.s32 $0x1BF5;
	[smem:$0x3FB4] =	sst s0  }
0x18: {  	s0 =	sld [smem:$0x3F97];
	_ =	swait.ge [sflag:s4], $0x0  }
0x19: {  	s7 =	sld [smem:$0x3F98]  }
0x1a: {  	s8 =	sadd.s32 $0xFFFFE003, lr  }
0x1b: {  	s9 =	sadd.s32 $0xFFFFFEF7, lr;
	s5 =	simm.s32 $0xFFFFFFFF;
	p2 =	slt.u32 s8, $0xFFFFF086  }
0x1c: {  	p1 =	slt.u32 s9, $0xF7A;
	s5 =	simm.s32 @!p2 $0x0  }
0x1d: {  	s5 =	simm.s32 @p1 $0x1;
	p0 =	seq.s32 s7, s2  }
0x1e: {  	s7 =	smul.u32 @!p0 $0xF7A, s2;
	p2 =	seq.s32 @!p0 s5, $0x0  }
0x1f: {  	s9 =	smul.u32 $0xF7A, s1;
	s8 =	simm.s32 @!p0 $0x1BF5;
	p2 =	por !p2, p0  }
0x20: {  	[sflag:s8] =	ssyncset.s32 @!p0 $0xFFFFF086;
	s6 =	sadd.s32 @!p0 s3, s7;
	s7 =	simm.s32 @!p0 $0x108  }
0x21: {  	s3 =	sadd.s32 s3, s9;
	s6 =	sadd.s32 @!p0 $0x88, s6;
	s7 =	simm.s32 @p2 $0x1082  }
0x22: {  	[simem:s7], [sflag:s8] =	dma.local @!p0 [hbm:s6], $0xF7A  }
0x23: {  	s9 =	sor.u32 $0xD0000000, s2;
	s6 =	simm.s32 $0x108;
	_ =	swait.ge @!p0 [sflag:s8], $0x0  }
0x24: {  	s3 =	sadd.s32 $0x88, s3;
	s6 =	simm.s32 @!p1 $0x1082;
	[sflag:s4] =	ssyncset.s32 $0xFFFFF086  }
0x25: {  	[simem:s6], [sflag:s4] =	dma.local [hbm:s3], $0xF7A  }
0x26: {  	[smem:$0x3F98] =	sst s1;
	(tag) =	ssettag s2;
	_ =	strace s9  }
0x27: {  	s1 =	sld [smem:$0x3FA8]  }
0x28: {  	s2 =	sld [smem:$0x3FA9]  }
0x29: {  	s4 =	sld [smem:$0x3FAB]  }
0x2a: {  	p0 =	seq.s32 s5, $0x0;
	s5 =	sld [smem:$0x3FAC]  }
0x2b: {  	s6 =	sld [smem:$0x3FAD]  }
0x2c: {  	s7 =	sld [smem:$0x3FAE]  }
0x2d: {  	s3 =	simm.s32 $0x108;
	s8 =	sld [smem:$0x3FAF]  }
0x2e: {  	s3 =	simm.s32 @!p0 $0x1082;
	s9 =	sld [smem:$0x3FB0]  }
0x2f: {  	lr =	sadd.s32 s0, s3;
	s0 =	sld [smem:$0x3FA7]  }
0x30: {  	s3 =	sld [smem:$0x3FAA]  }
0x31: {  	[smem:$0x3FB3] =	sst s10  }
0x32: {  	s10 =	sld [smem:$0x3FB1];
	_ =	sdelay $0x3  }
0x33: {  	p0 =	seq.s32 s10, $0x1;
	s10 =	sld [smem:$0x3FB3];
	_ =	sdelay $0x3  }
0x34: {  	[smem:$0x3FB3] =	sst s10  }
0x35: {  	s10 =	sld [smem:$0x3FB2];
	_ =	sdelay $0x3  }
0x36: {  	p1 =	seq.s32 s10, $0x1;
	s10 =	sld [smem:$0x3FB3];
	_ =	sdelay $0x3  }
0x37: {  	[smem:$0x3FB3] =	sst s10  }
0x38: {  	s10 =	sld [smem:$0x3FB4]  }
0x39: {  	_ = 	snop;
	(pc) =	sbr.ind lr, $3  }
0x3a: {  	_ = 	snop  }
0x3b: {  	_ = 	snop  }
0x3c: {  	p2 =	seq.s32 s10, $0x1;
	s10 =	sld [smem:$0x3FB3]  }
0x3d: {  	_ =	shalt  }
0x3e: {  	_ =	shalt  }
0x3f: {  	_ =	shalt  }
0x40: {  	_ =	shalt  }
0x41: {  	_ =	shalt  }
0x42: {  	_ =	shalt  }
0x43: {  	_ =	shalt  }
0x44: {  	_ =	shalt  }
0x45: {  	_ =	shalt  }
0x46: {  	_ =	shalt  }
0x47: {  	_ =	shalt  }
0x48: {  	_ =	shalt  }
0x49: {  	_ =	shalt  }
0x4a: {  	_ =	shalt  }
0x4b: {  	_ =	shalt  }
0x4c: {  	_ =	shalt  }
0x4d: {  	_ =	shalt  }
0x4e: {  	_ =	shalt  }
0x4f: {  	_ =	shalt  }
0x50: {  	_ =	shalt  }
0x51: {  	_ =	shalt  }
0x52: {  	_ =	shalt  }
0x53: {  	_ =	shalt  }
0x54: {  	_ =	shalt  }
0x55: {  	_ =	shalt  }
0x56: {  	_ =	shalt  }
0x57: {  	_ =	shalt  }
0x58: {  	_ =	shalt  }
0x59: {  	_ =	shalt  }
0x5a: {  	_ =	shalt  }
0x5b: {  	_ =	shalt  }
0x5c: {  	_ =	shalt  }
0x5d: {  	_ =	shalt  }
0x5e: {  	_ =	shalt  }
0x5f: {  	_ =	shalt  }
0x60: {  	_ =	shalt  }
0x61: {  	_ =	shalt  }
0x62: {  	_ =	shalt  }
0x63: {  	_ =	shalt  }
0x64: {  	_ =	shalt  }
0x65: {  	_ =	shalt  }
0x66: {  	_ =	shalt  }
0x67: {  	_ =	shalt  }
0x68: {  	_ =	shalt  }
0x69: {  	_ =	shalt  }
0x6a: {  	_ =	shalt  }
0x6b: {  	_ =	shalt  }
0x6c: {  	_ =	shalt  }
0x6d: {  	_ =	shalt  }
0x6e: {  	_ =	shalt  }
0x6f: {  	_ =	shalt  }
0x70: {  	_ =	shalt  }
0x71: {  	_ =	shalt  }
0x72: {  	_ =	shalt  }
0x73: {  	_ =	shalt  }
0x74: {  	_ =	shalt  }
0x75: {  	_ =	shalt  }
0x76: {  	_ =	shalt  }
0x77: {  	_ =	shalt  }
0x78: {  	_ =	shalt  }
0x79: {  	_ =	shalt  }
0x7a: {  	_ =	shalt  }
0x7b: {  	_ =	shalt  }
0x7c: {  	_ =	shalt  }
0x7d: {  	_ =	shalt  }
0x7e: {  	_ =	shalt  }
0x7f: {  	_ =	shalt  }
0x80: {  	_ =	shalt  }
0x81: {  	_ =	shalt  }
0x82: {  	_ =	shalt  }
0x83: {  	_ =	shalt  }
0x84: {  	_ =	shalt  }
0x85: {  	_ =	shalt  }
0x86: {  	_ =	shalt  }
0x87: {  	_ =	shalt  }
.Lfunc_end0:
.L_simem_size_0:
called_computation_lowered:
.L_overlay_start_0:
0x88: {  	s2 =	sld [smem:$0x3FD9]  }
0x89: {  	s3 =	sld [smem:$0x3FFE];
	_ =	sdelay $0x1  }
0x8a: {  	s1 =	srdreg.scid  }
0x8b: {  	s0 =	sand.u32 $0x1, s1  }
0x8c: {  	s17 =	sshll.u32 s0, $0xA;
	s2 =	sadd.s32 s3, s2  }
0x8d: {  	s2 =	sadd.s32 s2, s17  }
0x8e: {  	[smem:$0x3FBF] =	sst s2  }
0x8f: {  	_ = 	snop  }
0x90: {  	s2 =	sld [smem:$0x3FD0];
	(tm) =	ssettm $0x1  }
0x91: {  	s18 =	sld [smem:$0x3FFB];
	_ =	sdelay $0x3  }
0x92: {  	_ =	strace s18  }
0x93: {  	s3 =	sld [smem:$0x3FFC];
	_ =	sdelay $0x3  }
0x94: {  	_ =	strace s3  }
0x95: {  	s3 =	sld [smem:$0x3FFD];
	_ =	sdelay $0x3  }
0x96: {  	_ =	strace s3  }
0x97: {  	_ =	strace $0x8FFFFFFF  }
0x98: {  	s19 =	sld [smem:$0x3FDB];
	_ =	sdelay $0x1  }
0x99: {  	s4 =	simm.s32 $_scs_section_size  }
0x9a: {  	s5 =	simm.s32 $_size__tile_overlayer_lowered;
	s6 =	simm.s32 $_tile_overlayer_lowered  }
0x9b: {  	s22 =	simm.s32 $0x1BFF;
	s21 =	sshll.u32 s6, $0x1;
	s3 =	sadd.s32 s4, s19  }
0x9c: {  	s7 =	simm.s32 $0x0;
	s20 =	sshll.u32 s5, $0x1;
	s5 =	sadd.s32 s21, s3  }
0x9d: {  	[timem:s7], [sflag:s22] =	dma.local [hbm:s5], s20  }
0x9e: {  	_ =	swait.ge [sflag:s22], s20  }
0x9f: {  	s4 =	ssub.s32 $0x0, s20;
	[sflag:s22] =	ssyncset.done $0x0  }
0xa0: {  	[sflag:s22] =	ssyncadd.s32 s4;
	_ =	sdelay $0x1  }
0xa1: {  	s23 =	simm.s32 $0x1B8B  }
0xa2: {  	_ =	swait.ge [sflag:s23], $0x1  }
0xa3: {  	[sflag:s23] =	ssyncset.done $0x0  }
0xa4: {  	s25 =	simm.s32 $0x1B8E;
	s24 =	sld [smem:$0x3FFE];
	[sflag:s23] =	ssyncadd.s32 $0xFFFFFFFF  }
0xa5: {  	s26 =	simm.s32 $execute0_lowered;
	[smem:$0x3FD2] =	sst s25  }
0xa6: {  	s5 =	sshll.u32 s26, $0x1;
	_ =	strace $0x80000046;
	[dreg:$0x1] =	wrdreg $0xFFFFFFFF  }
0xa7: {  	s28 =	simm.s32 $_size_execute0_lowered;
	s3 =	sadd.s32 s3, s5;
	[dreg:$0x0] =	wrdreg $0x0  }
0xa8: {  	s5 =	sshll.u32 s28, $0x1;
	[dreg:$0x2] =	wrdreg s3  }
0xa9: {  	[dreg:$0x3] =	wrdreg s5  }
0xaa: {  	[dreg:$0x4] =	wrdreg $0xC0  }
0xab: {  	_ =	task [dreg:s7], $0x5FFFF  }
0xac: {  	[dreg:$0x1] =	wrdreg $0xFFFFFFFF  }
0xad: {  	[dreg:$0x0] =	wrdreg $0x60  }
0xae: {  	[dreg:$0x2] =	wrdreg s2  }
0xaf: {  	[dreg:$0x3] =	wrdreg s24  }
0xb0: {  	[dreg:$0x4] =	wrdreg $0xC7000  }
0xb1: {  	[dreg:$0x5] =	wrdreg $0x9  }
0xb2: {  	_ =	task.clear_ibuf [dreg:s7], $0x6FFFF;
	_ =	strace $0x90000046  }
0xb3: {  	s29 =	simm.s32 $0x9;
	_ =	strace $0x80000048  }
0xb4: {  	_ =	swait.ge [sflag:s29], $0x1  }
0xb5: {  	[sflag:s29] =	ssyncadd.s32 $0xFFFFFFFF  }
0xb6: {  	_ =	strace $0x90000048  }
0xb7: {  	_ =	sfence  }
0xb8: {  	s30 =	sld [smem:$0x0];
	_ =	sdelay $0x2  }
0xb9: {  	s31 =	sshll.u32 s1, $0xD;
	s1 =	sshrl.u32 s1, $0x2  }
0xba: {  	s3 =	sand.u32 $0x4000, s31;
	s1 =	sadd.s32 s1, s30  }
0xbb: {  	s0 =	sor.u32 s3, s0;
	s1 =	sshll.u32 s1, $0x11  }
0xbc: {  	s0 =	sor.u32 s1, s0  }
0xbd: {  	s0 =	sadd.s32 $0x8F2B, s0  }
0xbe: {  	[sflag:s0] =	ssyncadd.remote.s32 $0x1  }
0xbf: {  	_ =	sfence.sel $0xFFFF  }
0xc0: {  	[dreg:$0x0] =	wrdreg $0xFFFFFFFF;
	(pc) =	sbr.abs _section_cstart, $3  }
0xc1: {  	[dreg:$0x1] =	wrdreg $0xFFFFFFFF  }
0xc2: {  	_ =	task.clear_ibuf [dreg:s7], $0x2FFFF;
	_ =	strace $0x9FFFFFFF  }
0xc3: {  	(tm) =	ssettm $0x7FFFFFFF  }
tec
execute0_lowered:
.L_overlay_start_1:
0x0: {  	(tag) =	ssettag $0x1  }
0x1: {  	s1 =	rddreg [dreg:$0x0]  }
0x2: {  	s0 =	srdreg.scid;
	s2 =	rddreg [dreg:$0x1]  }
0x3: {  	s14 =	stileid.u32;
	s3 =	rddreg [dreg:$0x2];
	s4 =	simm.s32 $0x0  }
0x4: {  	s11 =	simm.s32 $0x2780;
	s12 =	simm.s32 $0x50;
	s13 =	simm.s32 $0x4F00  }
0x5: {  	s16 =	simm.s32 $0x7700;
	s17 =	simm.s32 $0x1;
	s19 =	simm.s32 $0x9F00  }
0x6: {  	s20 =	simm.s32 $0x2;
	s22 =	simm.s32 $0x4;
	s5 =	smul.u32 $0x2710, s14  }
0x7: {  	s23 =	simm.s32 $0x3;
	s28 =	simm.s32 $0x4DA0;
	s8 =	smul.u32 $0x1F400, s14  }
0x8: {  	s29 =	simm.s32 $0x26C0;
	s0 =	sand.u32 $0x1, s0;
	s10 =	smul.u32 $0x7D000, s14  }
0x9: {  	s30 =	simm.s32 $0x4DF0;
	s31 =	simm.s32 $0x4E40;
	s6 =	smul.u32 $0x27100, s0  }
0xa: {  	[smem:$0x7FF] =	sst s4;
	s7 =	smul.u32 $0x138800, s0;
	s0 =	ssub.s32 $0x2, s0  }
0xb: {  	p0 =	sgt.u32 s14, $0x9;
	_ =	strace $0x80000047;
	s25 =	sshrl.u32 s0, $0x1  }
0xc: {  	s26 =	sshrl.u32 s10, $0x2;
	s10 =	simm.s32 $0x7;
	s6 =	sadd.s32 s5, s6  }
0xd: {  	s5 =	sshrl.u32 s5, $0x3;
	s24 =	sadd.s32 s8, s7;
	s0 =	ssub.s32 s0, s25  }
0xe: {  	s15 =	sadd.s32 s26, s3;
	s25 =	simm.s32 $0x6;
	s26 =	simm.s32 $0x2670  }
0xf: {  	s6 =	sshrl.u32 s6, $0x3;
	s9 =	sadd.s32 s5, s2;
	s7 =	sshrl.u32 s24, $0x3  }
0x10: {  	s5 =	sadd.s32 $0x10400, s2;
	s15 =	sshrl.u32 @!p0 s15, $0x3;
	s24 =	simm.s32 $0x5  }
0x11: {  	s6 =	sadd.s32 s6, s2;
	s2 =	sadd.s32 s7, s2;
	s7 =	sadd.s32 $0x1600, s9  }
0x12: {  	s9 =	smax.u32 s0, $0x1;
	s0 =	sshll.u32 @!p0 s14, $0x6;
	s6 =	sadd.s32 $0x6600, s6  }
0x13: {  	s8 =	sadd.s32 $0x14400, s2;
	s14 =	sor.u32 @!p0 $0x1C07, s0;
	s2 =	simm.s32 $0x0  }
.LBB2_1:
0x14: {  	[tilespmem:s4], [sflag:$0x7] =	stream.linear.gather [hbm4b:s6+s4], $0x2710, $0x38;
	[tilespmem:$0x1FF80] =	vst v63  }
0x15: {  	_ =	swait.ge [sflag:s10], $0x2710  }
0x16: {  	[sflag:s10] =	ssyncset.done $0x0  }
0x17: {  	[sflag:s10] =	ssyncadd.s32 $0xFFFFD8F0  }
0x18: {  	[tilespmem:s11], [sflag:$0x7] =	stream.linear.gather [hbm4b:s7+s4], $0x2710, $0x38;
	[tilespmem:$0x1FF80] =	vst v63  }
0x19: {  	_ =	swait.ge [sflag:s10], $0x2710  }
0x1a: {  	[sflag:s10] =	ssyncset.done $0x0  }
0x1b: {  	s0 =	simm.s32 @!p0 $0x7;
	[sflag:s10] =	ssyncadd.s32 $0xFFFFD8F0  }
0x1c: {  	[tilespmem:s13], [sflag:$0x1] =	stream.indirect.gather [hbm4b:s1+s12], $0x80, s4, s12, $0xb8;
	[tilespmem:$0x1FF80] =	vst v63  }
0x1d: {  	[spmem:s15], [sflag:s14] =	dma.local @!p0 [hbm:s5], $0x3E80  }
0x1e: {  	_ =	swait.ge @!p0 [sflag:s0], $0x3E80  }
0x1f: {  	[sflag:s0] =	ssyncset.done @!p0 $0x0  }
0x20: {  	[sflag:s0] =	ssyncadd.s32 @!p0 $0xFFFFC180  }
0x21: {  	[bflag:$0x0] =	sbarrier.arrive $0xFFFF  }
0x22: {  	[tilespmem:s16], [sflag:$0x2] =	stream.indirect.gather [hbm4b:s1+s12], $0x80, s12, s12, $0xb8;
	[tilespmem:$0x1FF80] =	vst v63  }
0x23: {  	_ =	swait.ge [sflag:s17], $0x2800  }
0x24: {  	[sflag:s17] =	ssyncset.done $0x0  }
0x25: {  	[sflag:s17] =	ssyncadd.s32 $0xFFFFD800  }
0x26: {  	[spmem:s3] =	stream.indirect.scatter.add.f32 [tilespmem:s13], [sflag:$0x4], $0x80, s11, s12, $0xb8;
	[tilespmem:$0x1FF80] =	vst v63  }
0x27: {  	s21 =	simm.s32 $0xA0  }
0x28: {  	[tilespmem:s19], [sflag:$0x3] =	stream.indirect.gather [hbm4b:s1+s12], $0x80, s21, s12, $0xb8;
	[tilespmem:$0x1FF80] =	vst v63  }
0x29: {  	_ =	swait.ge [sflag:s20], $0x2800  }
0x2a: {  	[sflag:s20] =	ssyncset.done $0x0  }
0x2b: {  	s18 =	simm.s32 $0x27D0;
	[sflag:s20] =	ssyncadd.s32 $0xFFFFD800  }
0x2c: {  	[spmem:s3] =	stream.indirect.scatter.add.f32 [tilespmem:s16], [sflag:$0x5], $0x80, s18, s12, $0xb8;
	[tilespmem:$0x1FF80] =	vst v63  }
0x2d: {  	_ =	swait.ge [sflag:s22], $0x2800  }
0x2e: {  	[sflag:s22] =	ssyncset.done $0x0  }
0x2f: {  	s21 =	simm.s32 $0xF0;
	[sflag:s22] =	ssyncadd.s32 $0xFFFFD800  }
0x30: {  	[tilespmem:s13], [sflag:$0x1] =	stream.indirect.gather [hbm4b:s1+s12], $0x80, s21, s12, $0xb8;
	[tilespmem:$0x1FF80] =	vst v63  }
0x31: {  	_ =	swait.ge [sflag:s23], $0x2800  }
0x32: {  	[sflag:s23] =	ssyncset.done $0x0  }
0x33: {  	s18 =	simm.s32 $0x2820;
	[sflag:s23] =	ssyncadd.s32 $0xFFFFD800  }
0x34: {  	[spmem:s3] =	stream.indirect.scatter.add.f32 [tilespmem:s19], [sflag:$0x6], $0x80, s18, s12, $0xb8;
	[tilespmem:$0x1FF80] =	vst v63  }
0x35: {  	_ =	swait.ge [sflag:s24], $0x2800  }
0x36: {  	[sflag:s24] =	ssyncset.done $0x0  }
0x37: {  	s21 =	simm.s32 $0x140;
	[sflag:s24] =	ssyncadd.s32 $0xFFFFD800  }
0x38: {  	[tilespmem:s16], [sflag:$0x2] =	stream.indirect.gather [hbm4b:s1+s12], $0x80, s21, s12, $0xb8;
	[tilespmem:$0x1FF80] =	vst v63  }
0x39: {  	_ =	swait.ge [sflag:s17], $0x2800  }
0x3a: {  	[sflag:s17] =	ssyncset.done $0x0  }
0x3b: {  	s18 =	simm.s32 $0x2870;
	[sflag:s17] =	ssyncadd.s32 $0xFFFFD800  }
0x3c: {  	[spmem:s3] =	stream.indirect.scatter.add.f32 [tilespmem:s13], [sflag:$0x4], $0x80, s18, s12, $0xb8;
	[tilespmem:$0x1FF80] =	vst v63  }
0x3d: {  	_ =	swait.ge [sflag:s25], $0x2800  }
0x3e: {  	[sflag:s25] =	ssyncset.done $0x0  }
0x3f: {  	s21 =	simm.s32 $0x190;
	[sflag:s25] =	ssyncadd.s32 $0xFFFFD800  }
0x40: {  	[tilespmem:s19], [sflag:$0x3] =	stream.indirect.gather [hbm4b:s1+s12], $0x80, s21, s12, $0xb8;
	[tilespmem:$0x1FF80] =	vst v63  }
0x41: {  	_ =	swait.ge [sflag:s20], $0x2800  }
0x42: {  	[sflag:s20] =	ssyncset.done $0x0  }
0x43: {  	s0 =	simm.s32 $0x3C0;
	s18 =	simm.s32 $0x28C0;
	[sflag:s20] =	ssyncadd.s32 $0xFFFFD800  }
.LBB2_2:
0x44: {  	[spmem:s3] =	stream.indirect.scatter.add.f32 [tilespmem:s16], [sflag:$0x5], $0x80, s18, s12, $0xb8;
	[tilespmem:$0x1FF80] =	vst v63  }
0x45: {  	s18 =	smov.u32 s0  }
0x46: {  	p1 =	sne.s32 s0, $0x9240;
	s0 =	sadd.s32 $0x3C0, s0;
	_ =	swait.ge [sflag:s22], $0x2800  }
0x47: {  	s18 =	sshra.s32 s18, $0x2;
	[sflag:s22] =	ssyncset.done $0x0  }
0x48: {  	s21 =	sadd.s32 $0xF0, s18;
	[sflag:s22] =	ssyncadd.s32 $0xFFFFD800  }
0x49: {  	[tilespmem:s13], [sflag:$0x1] =	stream.indirect.gather [hbm4b:s1+s12], $0x80, s21, s12, $0xb8;
	[tilespmem:$0x1FF80] =	vst v63  }
0x4a: {  	_ =	swait.ge [sflag:s23], $0x2800  }
0x4b: {  	[sflag:s23] =	ssyncset.done $0x0  }
0x4c: {  	s21 =	sadd.s32 $0x2820, s18;
	[sflag:s23] =	ssyncadd.s32 $0xFFFFD800  }
0x4d: {  	[spmem:s3] =	stream.indirect.scatter.add.f32 [tilespmem:s19], [sflag:$0x6], $0x80, s21, s12, $0xb8;
	[tilespmem:$0x1FF80] =	vst v63  }
0x4e: {  	_ =	swait.ge [sflag:s24], $0x2800  }
0x4f: {  	[sflag:s24] =	ssyncset.done $0x0  }
0x50: {  	s21 =	sadd.s32 $0x140, s18;
	[sflag:s24] =	ssyncadd.s32 $0xFFFFD800  }
0x51: {  	[tilespmem:s16], [sflag:$0x2] =	stream.indirect.gather [hbm4b:s1+s12], $0x80, s21, s12, $0xb8;
	[tilespmem:$0x1FF80] =	vst v63  }
0x52: {  	_ =	swait.ge [sflag:s17], $0x2800  }
0x53: {  	[sflag:s17] =	ssyncset.done $0x0  }
0x54: {  	s21 =	sadd.s32 $0x2870, s18;
	[sflag:s17] =	ssyncadd.s32 $0xFFFFD800  }
0x55: {  	[spmem:s3] =	stream.indirect.scatter.add.f32 [tilespmem:s13], [sflag:$0x4], $0x80, s21, s12, $0xb8;
	[tilespmem:$0x1FF80] =	vst v63  }
0x56: {  	_ =	swait.ge [sflag:s25], $0x2800  }
0x57: {  	[sflag:s25] =	ssyncset.done $0x0  }
.Ltmp0:
0x58: {  	s21 =	sadd.s32 $0x190, s18;
	[sflag:s25] =	ssyncadd.s32 $0xFFFFD800;
	(pc) =	sbr.rel @p1 .LBB2_2-.Ltmp0, $4  }
0x59: {  	[tilespmem:s19], [sflag:$0x3] =	stream.indirect.gather [hbm4b:s1+s12], $0x80, s21, s12, $0xb8;
	[tilespmem:$0x1FF80] =	vst v63  }
0x5a: {  	_ =	swait.ge [sflag:s20], $0x2800  }
0x5b: {  	[sflag:s20] =	ssyncset.done $0x0  }
0x5c: {  	s18 =	sadd.s32 $0x28C0, s18;
	[sflag:s20] =	ssyncadd.s32 $0xFFFFD800  }
0x5d: {  	[spmem:s3] =	stream.indirect.scatter.add.f32 [tilespmem:s16], [sflag:$0x5], $0x80, s18, s12, $0xb8;
	[tilespmem:$0x1FF80] =	vst v63  }
0x5e: {  	_ =	swait.ge [sflag:s22], $0x2800  }
0x5f: {  	[sflag:s22] =	ssyncset.done $0x0  }
0x60: {  	[sflag:s22] =	ssyncadd.s32 $0xFFFFD800  }
0x61: {  	[tilespmem:s13], [sflag:$0x1] =	stream.indirect.gather [hbm4b:s1+s12], $0x80, s26, s12, $0xb8;
	[tilespmem:$0x1FF80] =	vst v63  }
0x62: {  	_ =	swait.ge [sflag:s23], $0x2800  }
0x63: {  	[sflag:s23] =	ssyncset.done $0x0  }
0x64: {  	[sflag:s23] =	ssyncadd.s32 $0xFFFFD800  }
0x65: {  	[spmem:s3] =	stream.indirect.scatter.add.f32 [tilespmem:s19], [sflag:$0x6], $0x80, s28, s12, $0xb8;
	[tilespmem:$0x1FF80] =	vst v63  }
0x66: {  	_ =	swait.ge [sflag:s24], $0x2800  }
0x67: {  	[sflag:s24] =	ssyncset.done $0x0  }
0x68: {  	[sflag:s24] =	ssyncadd.s32 $0xFFFFD800  }
0x69: {  	[tilespmem:s16], [sflag:$0x2] =	stream.indirect.gather [hbm4b:s1+s12], $0x80, s29, s12, $0xb8;
	[tilespmem:$0x1FF80] =	vst v63  }
0x6a: {  	_ =	swait.ge [sflag:s17], $0x2800  }
0x6b: {  	[sflag:s17] =	ssyncset.done $0x0  }
0x6c: {  	[sflag:s17] =	ssyncadd.s32 $0xFFFFD800  }
0x6d: {  	[spmem:s3] =	stream.indirect.scatter.add.f32 [tilespmem:s13], [sflag:$0x4], $0x80, s30, s12, $0xb8;
	[tilespmem:$0x1FF80] =	vst v63  }
0x6e: {  	_ =	swait.ge [sflag:s25], $0x2800  }
0x6f: {  	[sflag:s25] =	ssyncset.done $0x0  }
0x70: {  	[sflag:s25] =	ssyncadd.s32 $0xFFFFD800  }
0x71: {  	_ =	swait.ge [sflag:s20], $0x2800  }
0x72: {  	[sflag:s20] =	ssyncset.done $0x0  }
0x73: {  	[sflag:s20] =	ssyncadd.s32 $0xFFFFD800  }
0x74: {  	[spmem:s3] =	stream.indirect.scatter.add.f32 [tilespmem:s16], [sflag:$0x5], $0x80, s31, s12, $0xb8;
	[tilespmem:$0x1FF80] =	vst v63  }
0x75: {  	_ =	swait.ge [sflag:s22], $0x2800  }
0x76: {  	[sflag:s22] =	ssyncset.done $0x0  }
0x77: {  	[sflag:s22] =	ssyncadd.s32 $0xFFFFD800  }
0x78: {  	_ =	swait.ge [sflag:s24], $0x2800  }
0x79: {  	s2 =	sadd.s32 $0x1, s2;
	[sflag:s24] =	ssyncset.done $0x0  }
0x7a: {  	p1 =	sne.s32 s2, s9;
	[sflag:s24] =	ssyncadd.s32 $0xFFFFD800  }
.Ltmp1:
0x7b: {  	s0 =	simm.s32 @!p0 $0x7;
	[bflag:$0x0] =	sbarrier.arrive $0xFFFF;
	(pc) =	sbr.rel @p1 .LBB2_1-.Ltmp1, $4  }
0x7c: {  	[hbm:s8], [sflag:s14] =	dma.local @!p0 [spmem:s15], $0x3E80  }
0x7d: {  	_ =	swait.ge @!p0 [sflag:s0], $0x3E80  }
0x7e: {  	[sflag:s0] =	ssyncset.done @!p0 $0x0  }
0x7f: {  	[sflag:s0] =	ssyncadd.s32 @!p0 $0xFFFFC180  }
0x80: {  	_ =	sfence.sel $0x180000  }
0x81: {  	[bflag:$0x0] =	sbarrier.arrive $0xFFFF  }
0x82: {  	_ =	strace $0x90000047  }
0x83: {  	s0 =	stileid.u32;
	[bflag:$0x2] =	sbarrier.arrive $0xFFFF  }
0x84: {  	p0 =	sne.s32 s0, $0x0;
	s0 =	rddreg [dreg:$0x3]  }
0x85: {  	s0 =	sadd.s32 @!p0 $0x100000, s0  }
0x86: {  	[sflag:s0] =	ssyncadd.tile.s32 @!p0 $0x1;
	_ =	shalt  }
.Lfunc_end2:
_tile_overlayer_lowered:
.L_overlay_start_2:
0x87: {  	(tag) =	ssettag $0x2  }
0x88: {  	s0 =	rddreg [dreg:$0x0];
	s2 =	stileid.u32  }
0x89: {  	s1 =	rddreg [dreg:$0x1];
	p0 =	sne.s32 s2, $0x0  }
0x8a: {  	s3 =	rddreg [dreg:$0x2];
	[bflag:$0x3] =	sbarrier.arrive $0xFFFF;
	s2 =	simm.s32 @!p0 $0x1C07  }
0x8b: {  	[timem:s3], [sflag:s2] =	dma.local @!p0 [hbm:s0], s1  }
0x8c: {  	s0 =	simm.s32 @!p0 $0x7  }
0x8d: {  	_ =	swait.ge @!p0 [sflag:s0], s1  }
0x8e: {  	s1 =	ssub.s32 @!p0 $0x0, s1;
	[sflag:s0] =	ssyncset.done @!p0 $0x0  }
0x8f: {  	[sflag:s0] =	ssyncadd.s32 @!p0 s1  }
0x90: {  	[bflag:$0x3] =	sbarrier.arrive $0xFFFF  }
0x91: {  	_ =	shalt  }

</sc_bundles>
